<compile_context>
chip_gen: v7x
topology: tpu7x:2x2x1
jax: 0.10.2.dev20260603
libtpu: 0.0.44.dev20260713+nightly
codegen_flags: <defaults>
</compile_context>

<pallas_src>
import functools

import jax
import jax.numpy as jnp
from jax import lax
from jax.experimental import pallas as pl
from jax.experimental.layout import Format, Layout, with_layout_constraint
from jax.experimental.pallas import tpu as pltpu
from jax.experimental.pallas import tpu_sc as plsc

B, L = 16384, 50
LP = 64
TOKEN_DIM = 64
EMBED_DIM = 256
EPS = 1e-5

NC, NS = 2, 16
NW = NC * NS
BPW = B // NW
CHUNK_B = 2
NCHUNK = BPW // CHUNK_B
NBUF = 4


@functools.lru_cache(maxsize=1)
def _make_gather_pool():
    mesh = plsc.VectorSubcoreMesh(core_axis_name="c", subcore_axis_name="s",
                                  num_cores=NC, num_subcores=NS)
    return pl.kernel(
        _gather_pool_body,
        mesh=mesh,
        out_type=jax.ShapeDtypeStruct((B, TOKEN_DIM), jnp.float32),
        scratch_types=(
            [pltpu.VMEM((BPW, L), jnp.int32),
             pltpu.VMEM((NCHUNK, 128), jnp.int32)]
            + [pltpu.VMEM((128, TOKEN_DIM), jnp.float32) for _ in range(NBUF)]
            + [pltpu.VMEM((BPW, TOKEN_DIM), jnp.float32)]
            + [pltpu.SemaphoreType.DMA for _ in range(NBUF)]
        ),
        compiler_params=pltpu.CompilerParams(use_tc_tiling_on_sc=False),
    )


def _gather_pool_body(tok_hbm, table_hbm, out_hbm, *refs):
    ids_raw = refs[0]
    ids2d = refs[1]
    bufs = refs[2:2 + NBUF]
    pooled_v = refs[2 + NBUF]
    sems = refs[3 + NBUF:3 + 2 * NBUF]

    wid = lax.axis_index("s") * NC + lax.axis_index("c")
    pltpu.sync_copy(tok_hbm.at[pl.ds(wid * BPW, BPW)], ids_raw)

    def pack_body(c, carry):
        for half in range(2):
            bb = 2 * c + half
            dst0 = half * LP
            for k in range(3):
                v = ids_raw[bb, pl.ds(16 * k, 16)]
                ids2d[c, pl.ds(dst0 + 16 * k, 16)] = v + v
            tail = ids_raw[bb, pl.ds(34, 16)]
            tail = tail + tail
            ids2d[c, pl.ds(dst0 + 48, 16)] = tail
            ids2d[c, pl.ds(dst0 + 34, 16)] = tail
        return carry

    lax.fori_loop(0, NCHUNK, pack_body, 0)

    for s in range(NBUF):
        pltpu.async_copy(table_hbm.at[ids2d.at[s]], bufs[s], sems[s])

    NQ = TOKEN_DIM // 16

    def outer(i, carry):
        for s in range(NBUF):
            c = NBUF * i + s
            pltpu.make_async_copy(table_hbm.at[ids2d.at[c]], bufs[s],
                                  sems[s]).wait()
            buf = bufs[s]
            for sub in range(CHUNK_B):
                def acc_body(r, acc, _sub=sub, _buf=buf):
                    base = _sub * LP + 2 * r
                    return tuple(
                        acc[q] + (_buf[base, pl.ds(q * 16, 16)]
                                  + _buf[base + 1, pl.ds(q * 16, 16)])
                        for q in range(NQ))

                acc = lax.fori_loop(
                    0, L // 2, acc_body,
                    tuple(jnp.zeros((16,), jnp.float32) for _ in range(NQ)))
                row = c * CHUNK_B + sub
                for q in range(NQ):
                    pooled_v[row, pl.ds(q * 16, 16)] = acc[q]

            @pl.when(c + NBUF < NCHUNK)
            def _():
                pltpu.async_copy(table_hbm.at[ids2d.at[c + NBUF]], bufs[s],
                                 sems[s])
        return carry

    lax.fori_loop(0, NCHUNK // NBUF, outer, 0)
    pltpu.sync_copy(pooled_v, out_hbm.at[pl.ds(wid * BPW, BPW)])


def _head_body(x_ref, w_ref, b_ref, g_ref, bt_ref, o_ref):
    x = x_ref[...] * (1.0 / L)
    h = lax.dot_general(x, w_ref[...], (((1,), (1,)), ((), ())),
                        precision=lax.Precision.HIGHEST,
                        preferred_element_type=jnp.float32)
    h = h + b_ref[...]
    mu = jnp.mean(h, axis=-1, keepdims=True)
    d = h - mu
    var = jnp.mean(d * d, axis=-1, keepdims=True)
    o_ref[...] = d * lax.rsqrt(var + EPS) * g_ref[...] + bt_ref[...]


def kernel(token_ids, table, W, b, gamma, beta):
    tok = token_ids if token_ids.dtype == jnp.int32 else (
        token_ids.astype(jnp.int32))
    table_lin = jnp.pad(table, ((0, 0), (0, 64))).reshape(2000000, TOKEN_DIM)
    pooled_sum = _make_gather_pool()(tok, table_lin)

    BS = 1024
    out = pl.pallas_call(
        _head_body,
        grid=(B // BS,),
        in_specs=[
            pl.BlockSpec((BS, TOKEN_DIM), lambda i: (i, 0)),
            pl.BlockSpec((EMBED_DIM, TOKEN_DIM), lambda i: (0, 0)),
            pl.BlockSpec((1, EMBED_DIM), lambda i: (0, 0)),
            pl.BlockSpec((1, EMBED_DIM), lambda i: (0, 0)),
            pl.BlockSpec((1, EMBED_DIM), lambda i: (0, 0)),
        ],
        out_specs=pl.BlockSpec((BS, EMBED_DIM), lambda i: (i, 0)),
        out_shape=jax.ShapeDtypeStruct((B, EMBED_DIM), jnp.float32),
    )(pooled_sum, W, b.reshape(1, EMBED_DIM), gamma.reshape(1, EMBED_DIM),
      beta.reshape(1, EMBED_DIM))
    return out

# --- scband reference (transcript-rebuilt; emitter-appended) ---
"""Pipeline reference for scband-text-encoder-18915035972374 (READ-ONLY COPY).

The authoritative reference and input builder live on the scoring server;
editing this copy changes nothing except your own understanding.
"""

import jax, jax.numpy as jnp
import numpy as np

B, L = 16384, 50
VOCAB, TOKEN_DIM, EMBED_DIM = 1000000, 64, 256
PAD = 0
EPS = 1e-5


def setup_inputs(seed: int = 0) -> dict:
    key = jax.random.key(seed)
    k1, k2, k3, k4 = jax.random.split(key, 4)
    token_ids = jax.random.randint(k1, (B, L), 0, VOCAB)
    # nn.Embedding weight ~ N(0,1), padding_idx row zeroed
    table = jax.random.normal(k2, (VOCAB, TOKEN_DIM), dtype=jnp.float32)
    table = table.at[PAD].set(0.0)
    # Linear(token_dim -> embedding_dim): weight [EMBED_DIM, TOKEN_DIM], bias [EMBED_DIM]
    bound = 1.0 / np.sqrt(TOKEN_DIM)
    W = jax.random.uniform(k3, (EMBED_DIM, TOKEN_DIM), minval=-bound, maxval=bound, dtype=jnp.float32)
    b = jax.random.uniform(k4, (EMBED_DIM,), minval=-bound, maxval=bound, dtype=jnp.float32)
    gamma = jnp.ones((EMBED_DIM,), dtype=jnp.float32)
    beta = jnp.zeros((EMBED_DIM,), dtype=jnp.float32)
    return {"token_ids": token_ids, "table": table, "W": W, "b": b, "gamma": gamma, "beta": beta}


def reference(token_ids, table, W, b, gamma, beta):
    # 1. embedding lookup (SparseCore gather)
    embed = jnp.take(table, token_ids, axis=0)          # [B, L, TOKEN_DIM]
    # 2. mean-pool over sequence
    pooled = jnp.mean(embed, axis=1)                    # [B, TOKEN_DIM]
    # 3. dropout is identity at inference; linear projection
    h = pooled @ W.T + b                                # [B, EMBED_DIM]
    # 4. LayerNorm over last dim
    mu = jnp.mean(h, axis=-1, keepdims=True)
    var = jnp.mean((h - mu) ** 2, axis=-1, keepdims=True)
    out = (h - mu) / jnp.sqrt(var + EPS) * gamma + beta
    return out

if __name__ == "__main__":
    import jax
    _d = setup_inputs()
    print(jax.jit(kernel)(*tuple(_d.values())))

</pallas_src>

<mosaic_0001>
#map = affine_map<(d0, d1) -> (0, 0)>
module attributes {stable_mosaic.version = 14 : i64} {
  func.func @_gather_pool_body(%arg0: i32, %arg1: i32, %arg2: memref<16384x50xi32, #tpu.memory_space<hbm>>, %arg3: memref<2000000x64xf32, #tpu.memory_space<hbm>>, %arg4: memref<16384x64xf32, #tpu.memory_space<hbm>>, %arg5: memref<512x50xi32, #tpu.memory_space<vmem>>, %arg6: memref<256x128xi32, #tpu.memory_space<vmem>>, %arg7: memref<128x64xf32, #tpu.memory_space<vmem>>, %arg8: memref<128x64xf32, #tpu.memory_space<vmem>>, %arg9: memref<128x64xf32, #tpu.memory_space<vmem>>, %arg10: memref<128x64xf32, #tpu.memory_space<vmem>>, %arg11: memref<512x64xf32, #tpu.memory_space<vmem>>, %arg12: memref<!tpu.dma_semaphore, #tpu.memory_space<semaphore_mem>>, %arg13: memref<!tpu.dma_semaphore, #tpu.memory_space<semaphore_mem>>, %arg14: memref<!tpu.dma_semaphore, #tpu.memory_space<semaphore_mem>>, %arg15: memref<!tpu.dma_semaphore, #tpu.memory_space<semaphore_mem>>) attributes {dimension_semantics = [#tpu.dimension_semantics<core_parallel>, #tpu.dimension_semantics<subcore_parallel>], iteration_bounds = array<i64: 2, 16>, scalar_prefetch = 0 : i64, scratch_operands = 11 : i64, tpu.core_type = #tpu.core_type<sc_vector_subcore>, window_params = [{transform_indices = #map}, {transform_indices = #map}, {transform_indices = #map}]} {
    %mul3A = arith.constant 2 : i32
    %mul3A_0 = arith.muli %arg1, %mul3A : i32
    %add3A = arith.addi %mul3A_0, %arg0 : i32
    %mul3A_1 = arith.constant 512 : i32
    %mul3A_2 = arith.muli %add3A, %mul3A_1 : i32
    "tpu.region"() ({
      %run_scoped3A = tpu.sem_alloc : memref<!tpu.dma_semaphore, #tpu.memory_space<semaphore_mem>>
      %dma_start3A_43 = arith.constant 0 : i32
      %dma_start3A_44 = tpu.memref_slice %arg2[%mul3A_2, %dma_start3A_43] : memref<16384x50xi32, #tpu.memory_space<hbm>> -> memref<512x50xi32, #tpu.memory_space<hbm>>
      %dma_start3A_45 = arith.constant 0 : i32
      %dma_start3A_46 = tpu.memref_slice %arg2[%mul3A_2, %dma_start3A_45] : memref<16384x50xi32, #tpu.memory_space<hbm>> -> memref<512x50xi32, #tpu.memory_space<hbm>>
      tpu.enqueue_dma source(%dma_start3A_46 : memref<512x50xi32, #tpu.memory_space<hbm>>) target(%arg5 : memref<512x50xi32, #tpu.memory_space<vmem>>) target_semaphore(%run_scoped3A : memref<!tpu.dma_semaphore, #tpu.memory_space<semaphore_mem>>)
      %dma_wait3A = arith.constant 0 : i32
      %dma_wait3A_47 = tpu.memref_slice %arg2[%mul3A_2, %dma_wait3A] : memref<16384x50xi32, #tpu.memory_space<hbm>> -> memref<512x50xi32, #tpu.memory_space<hbm>>
      %dma_wait3A_48 = arith.constant 0 : i32
      %dma_wait3A_49 = tpu.memref_slice %arg2[%mul3A_2, %dma_wait3A_48] : memref<16384x50xi32, #tpu.memory_space<hbm>> -> memref<512x50xi32, #tpu.memory_space<hbm>>
      tpu.wait_dma2 semaphore(%run_scoped3A : memref<!tpu.dma_semaphore, #tpu.memory_space<semaphore_mem>>) src(%dma_wait3A_49 : memref<512x50xi32, #tpu.memory_space<hbm>>) dst(%arg5 : memref<512x50xi32, #tpu.memory_space<vmem>>)
      tpu.yield
    }) : () -> ()
    %scan3A = arith.constant 0 : i32
    %scan3A_3 = arith.constant 0 : i32
    %scan3A_4 = arith.constant 256 : i32
    %scan3A_5 = arith.addi %scan3A_3, %scan3A_4 : i32
    %scan3A_6 = arith.constant 1 : i32
    scf.for %scan3A_43 = %scan3A_3 to %scan3A_5 step %scan3A_6  : i32 {
      %mul3A_44 = arith.constant 2 : i32
      %mul3A_45 = arith.muli %mul3A_44, %scan3A_43 : i32
      %add3A_46 = arith.constant 0 : i32
      %add3A_47 = arith.addi %mul3A_45, %add3A_46 : i32
      %get3A = arith.index_cast %add3A_47 : i32 to index
      %get3A_48 = arith.constant 0 : index
      %get3A_49 = tpu.vector_load %arg5[%get3A, %get3A_48] {strides = array<i32>} : memref<512x50xi32, #tpu.memory_space<vmem>>, vector<1x16xi32>,
      %get3A_50 = vector.shape_cast %get3A_49 : vector<1x16xi32> to vector<16xi32>
      %add3A_51 = arith.addi %get3A_50, %get3A_50 : vector<16xi32>
      %swap3A = arith.index_cast %scan3A_43 : i32 to index
      %swap3A_52 = arith.constant 0 : index
      %swap3A_53 = tpu.vector_load %arg6[%swap3A, %swap3A_52] {strides = array<i32>} : memref<256x128xi32, #tpu.memory_space<vmem>>, vector<1x16xi32>,
      %swap3A_54 = vector.shape_cast %swap3A_53 : vector<1x16xi32> to vector<16xi32>
      %swap3A_55 = vector.shape_cast %add3A_51 : vector<16xi32> to vector<1x16xi32>
      tpu.vector_store %arg6[%swap3A, %swap3A_52], %swap3A_55 {strides = array<i32>} : memref<256x128xi32, #tpu.memory_space<vmem>>, vector<1x16xi32>,
      %get3A_56 = arith.index_cast %add3A_47 : i32 to index
      %get3A_57 = arith.constant 16 : index
      %get3A_58 = tpu.vector_load %arg5[%get3A_56, %get3A_57] {strides = array<i32>} : memref<512x50xi32, #tpu.memory_space<vmem>>, vector<1x16xi32>,
      %get3A_59 = vector.shape_cast %get3A_58 : vector<1x16xi32> to vector<16xi32>
      %add3A_60 = arith.addi %get3A_59, %get3A_59 : vector<16xi32>
      %swap3A_61 = arith.index_cast %scan3A_43 : i32 to index
      %swap3A_62 = arith.constant 16 : index
      %swap3A_63 = tpu.vector_load %arg6[%swap3A_61, %swap3A_62] {strides = array<i32>} : memref<256x128xi32, #tpu.memory_space<vmem>>, vector<1x16xi32>,
      %swap3A_64 = vector.shape_cast %swap3A_63 : vector<1x16xi32> to vector<16xi32>
      %swap3A_65 = vector.shape_cast %add3A_60 : vector<16xi32> to vector<1x16xi32>
      tpu.vector_store %arg6[%swap3A_61, %swap3A_62], %swap3A_65 {strides = array<i32>} : memref<256x128xi32, #tpu.memory_space<vmem>>, vector<1x16xi32>,
      %get3A_66 = arith.index_cast %add3A_47 : i32 to index
      %get3A_67 = arith.constant 32 : index
      %get3A_68 = tpu.vector_load %arg5[%get3A_66, %get3A_67] {strides = array<i32>} : memref<512x50xi32, #tpu.memory_space<vmem>>, vector<1x16xi32>,
      %get3A_69 = vector.shape_cast %get3A_68 : vector<1x16xi32> to vector<16xi32>
      %add3A_70 = arith.addi %get3A_69, %get3A_69 : vector<16xi32>
      %swap3A_71 = arith.index_cast %scan3A_43 : i32 to index
      %swap3A_72 = arith.constant 32 : index
      %swap3A_73 = tpu.vector_load %arg6[%swap3A_71, %swap3A_72] {strides = array<i32>} : memref<256x128xi32, #tpu.memory_space<vmem>>, vector<1x16xi32>,
      %swap3A_74 = vector.shape_cast %swap3A_73 : vector<1x16xi32> to vector<16xi32>
      %swap3A_75 = vector.shape_cast %add3A_70 : vector<16xi32> to vector<1x16xi32>
      tpu.vector_store %arg6[%swap3A_71, %swap3A_72], %swap3A_75 {strides = array<i32>} : memref<256x128xi32, #tpu.memory_space<vmem>>, vector<1x16xi32>,
      %get3A_76 = arith.index_cast %add3A_47 : i32 to index
      %get3A_77 = arith.constant 34 : index
      %get3A_78 = tpu.vector_load %arg5[%get3A_76, %get3A_77] {strides = array<i32>} : memref<512x50xi32, #tpu.memory_space<vmem>>, vector<1x16xi32>,
      %get3A_79 = vector.shape_cast %get3A_78 : vector<1x16xi32> to vector<16xi32>
      %add3A_80 = arith.addi %get3A_79, %get3A_79 : vector<16xi32>
      %swap3A_81 = arith.index_cast %scan3A_43 : i32 to index
      %swap3A_82 = arith.constant 48 : index
      %swap3A_83 = tpu.vector_load %arg6[%swap3A_81, %swap3A_82] {strides = array<i32>} : memref<256x128xi32, #tpu.memory_space<vmem>>, vector<1x16xi32>,
      %swap3A_84 = vector.shape_cast %swap3A_83 : vector<1x16xi32> to vector<16xi32>
      %swap3A_85 = vector.shape_cast %add3A_80 : vector<16xi32> to vector<1x16xi32>
      tpu.vector_store %arg6[%swap3A_81, %swap3A_82], %swap3A_85 {strides = array<i32>} : memref<256x128xi32, #tpu.memory_space<vmem>>, vector<1x16xi32>,
      %swap3A_86 = arith.index_cast %scan3A_43 : i32 to index
      %swap3A_87 = arith.constant 34 : index
      %swap3A_88 = tpu.vector_load %arg6[%swap3A_86, %swap3A_87] {strides = array<i32>} : memref<256x128xi32, #tpu.memory_space<vmem>>, vector<1x16xi32>,
      %swap3A_89 = vector.shape_cast %swap3A_88 : vector<1x16xi32> to vector<16xi32>
      %swap3A_90 = vector.shape_cast %add3A_80 : vector<16xi32> to vector<1x16xi32>
      tpu.vector_store %arg6[%swap3A_86, %swap3A_87], %swap3A_90 {strides = array<i32>} : memref<256x128xi32, #tpu.memory_space<vmem>>, vector<1x16xi32>,
      %mul3A_91 = arith.constant 2 : i32
      %mul3A_92 = arith.muli %mul3A_91, %scan3A_43 : i32
      %add3A_93 = arith.constant 1 : i32
      %add3A_94 = arith.addi %mul3A_92, %add3A_93 : i32
      %get3A_95 = arith.index_cast %add3A_94 : i32 to index
      %get3A_96 = arith.constant 0 : index
      %get3A_97 = tpu.vector_load %arg5[%get3A_95, %get3A_96] {strides = array<i32>} : memref<512x50xi32, #tpu.memory_space<vmem>>, vector<1x16xi32>,
      %get3A_98 = vector.shape_cast %get3A_97 : vector<1x16xi32> to vector<16xi32>
      %add3A_99 = arith.addi %get3A_98, %get3A_98 : vector<16xi32>
      %swap3A_100 = arith.index_cast %scan3A_43 : i32 to index
      %swap3A_101 = arith.constant 64 : index
      %swap3A_102 = tpu.vector_load %arg6[%swap3A_100, %swap3A_101] {strides = array<i32>} : memref<256x128xi32, #tpu.memory_space<vmem>>, vector<1x16xi32>,
      %swap3A_103 = vector.shape_cast %swap3A_102 : vector<1x16xi32> to vector<16xi32>
      %swap3A_104 = vector.shape_cast %add3A_99 : vector<16xi32> to vector<1x16xi32>
      tpu.vector_store %arg6[%swap3A_100, %swap3A_101], %swap3A_104 {strides = array<i32>} : memref<256x128xi32, #tpu.memory_space<vmem>>, vector<1x16xi32>,
      %get3A_105 = arith.index_cast %add3A_94 : i32 to index
      %get3A_106 = arith.constant 16 : index
      %get3A_107 = tpu.vector_load %arg5[%get3A_105, %get3A_106] {strides = array<i32>} : memref<512x50xi32, #tpu.memory_space<vmem>>, vector<1x16xi32>,
      %get3A_108 = vector.shape_cast %get3A_107 : vector<1x16xi32> to vector<16xi32>
      %add3A_109 = arith.addi %get3A_108, %get3A_108 : vector<16xi32>
      %swap3A_110 = arith.index_cast %scan3A_43 : i32 to index
      %swap3A_111 = arith.constant 80 : index
      %swap3A_112 = tpu.vector_load %arg6[%swap3A_110, %swap3A_111] {strides = array<i32>} : memref<256x128xi32, #tpu.memory_space<vmem>>, vector<1x16xi32>,
      %swap3A_113 = vector.shape_cast %swap3A_112 : vector<1x16xi32> to vector<16xi32>
      %swap3A_114 = vector.shape_cast %add3A_109 : vector<16xi32> to vector<1x16xi32>
      tpu.vector_store %arg6[%swap3A_110, %swap3A_111], %swap3A_114 {strides = array<i32>} : memref<256x128xi32, #tpu.memory_space<vmem>>, vector<1x16xi32>,
      %get3A_115 = arith.index_cast %add3A_94 : i32 to index
      %get3A_116 = arith.constant 32 : index
      %get3A_117 = tpu.vector_load %arg5[%get3A_115, %get3A_116] {strides = array<i32>} : memref<512x50xi32, #tpu.memory_space<vmem>>, vector<1x16xi32>,
      %get3A_118 = vector.shape_cast %get3A_117 : vector<1x16xi32> to vector<16xi32>
      %add3A_119 = arith.addi %get3A_118, %get3A_118 : vector<16xi32>
      %swap3A_120 = arith.index_cast %scan3A_43 : i32 to index
      %swap3A_121 = arith.constant 96 : index
      %swap3A_122 = tpu.vector_load %arg6[%swap3A_120, %swap3A_121] {strides = array<i32>} : memref<256x128xi32, #tpu.memory_space<vmem>>, vector<1x16xi32>,
      %swap3A_123 = vector.shape_cast %swap3A_122 : vector<1x16xi32> to vector<16xi32>
      %swap3A_124 = vector.shape_cast %add3A_119 : vector<16xi32> to vector<1x16xi32>
      tpu.vector_store %arg6[%swap3A_120, %swap3A_121], %swap3A_124 {strides = array<i32>} : memref<256x128xi32, #tpu.memory_space<vmem>>, vector<1x16xi32>,
      %get3A_125 = arith.index_cast %add3A_94 : i32 to index
      %get3A_126 = arith.constant 34 : index
      %get3A_127 = tpu.vector_load %arg5[%get3A_125, %get3A_126] {strides = array<i32>} : memref<512x50xi32, #tpu.memory_space<vmem>>, vector<1x16xi32>,
      %get3A_128 = vector.shape_cast %get3A_127 : vector<1x16xi32> to vector<16xi32>
      %add3A_129 = arith.addi %get3A_128, %get3A_128 : vector<16xi32>
      %swap3A_130 = arith.index_cast %scan3A_43 : i32 to index
      %swap3A_131 = arith.constant 112 : index
      %swap3A_132 = tpu.vector_load %arg6[%swap3A_130, %swap3A_131] {strides = array<i32>} : memref<256x128xi32, #tpu.memory_space<vmem>>, vector<1x16xi32>,
      %swap3A_133 = vector.shape_cast %swap3A_132 : vector<1x16xi32> to vector<16xi32>
      %swap3A_134 = vector.shape_cast %add3A_129 : vector<16xi32> to vector<1x16xi32>
      tpu.vector_store %arg6[%swap3A_130, %swap3A_131], %swap3A_134 {strides = array<i32>} : memref<256x128xi32, #tpu.memory_space<vmem>>, vector<1x16xi32>,
      %swap3A_135 = arith.index_cast %scan3A_43 : i32 to index
      %swap3A_136 = arith.constant 98 : index
      %swap3A_137 = tpu.vector_load %arg6[%swap3A_135, %swap3A_136] {strides = array<i32>} : memref<256x128xi32, #tpu.memory_space<vmem>>, vector<1x16xi32>,
      %swap3A_138 = vector.shape_cast %swap3A_137 : vector<1x16xi32> to vector<16xi32>
      %swap3A_139 = vector.shape_cast %add3A_129 : vector<16xi32> to vector<1x16xi32>
      tpu.vector_store %arg6[%swap3A_135, %swap3A_136], %swap3A_139 {strides = array<i32>} : memref<256x128xi32, #tpu.memory_space<vmem>>, vector<1x16xi32>,
    }
    %scan3A_7 = arith.constant 256 : i32
    %dma_start3A = arith.constant 0 : i32
    %dma_start3A_8 = arith.constant 0 : i32
    %dma_start3A_9 = tpu.memref_slice %arg6[%dma_start3A, %dma_start3A_8] : memref<256x128xi32, #tpu.memory_space<vmem>> -> memref<1x128xi32, #tpu.memory_space<vmem>>
    %dma_start3A_10 = tpu.memref_squeeze %dma_start3A_9 : memref<1x128xi32, #tpu.memory_space<vmem>> -> memref<128xi32, #tpu.memory_space<vmem>>
    %dma_start3A_11 = arith.constant 0 : i32
    %dma_start3A_12 = arith.constant 0 : i32
    %dma_start3A_13 = tpu.memref_slice %arg3[%dma_start3A_11, %dma_start3A_12] : memref<2000000x64xf32, #tpu.memory_space<hbm>> -> memref<2000000x64xf32, #tpu.memory_space<hbm>>
    tpu.enqueue_indirect_dma source(%dma_start3A_13 : memref<2000000x64xf32, #tpu.memory_space<hbm>>) target(%arg7 : memref<128x64xf32, #tpu.memory_space<vmem>>) offsets(%dma_start3A_10 : memref<128xi32, #tpu.memory_space<vmem>>) semaphore(%arg12 : memref<!tpu.dma_semaphore, #tpu.memory_space<semaphore_mem>>)
    %dma_start3A_14 = arith.constant 1 : i32
    %dma_start3A_15 = arith.constant 0 : i32
    %dma_start3A_16 = tpu.memref_slice %arg6[%dma_start3A_14, %dma_start3A_15] : memref<256x128xi32, #tpu.memory_space<vmem>> -> memref<1x128xi32, #tpu.memory_space<vmem>>
    %dma_start3A_17 = tpu.memref_squeeze %dma_start3A_16 : memref<1x128xi32, #tpu.memory_space<vmem>> -> memref<128xi32, #tpu.memory_space<vmem>>
    %dma_start3A_18 = arith.constant 0 : i32
    %dma_start3A_19 = arith.constant 0 : i32
    %dma_start3A_20 = tpu.memref_slice %arg3[%dma_start3A_18, %dma_start3A_19] : memref<2000000x64xf32, #tpu.memory_space<hbm>> -> memref<2000000x64xf32, #tpu.memory_space<hbm>>
    tpu.enqueue_indirect_dma source(%dma_start3A_20 : memref<2000000x64xf32, #tpu.memory_space<hbm>>) target(%arg8 : memref<128x64xf32, #tpu.memory_space<vmem>>) offsets(%dma_start3A_17 : memref<128xi32, #tpu.memory_space<vmem>>) semaphore(%arg13 : memref<!tpu.dma_semaphore, #tpu.memory_space<semaphore_mem>>)
    %dma_start3A_21 = arith.constant 2 : i32
    %dma_start3A_22 = arith.constant 0 : i32
    %dma_start3A_23 = tpu.memref_slice %arg6[%dma_start3A_21, %dma_start3A_22] : memref<256x128xi32, #tpu.memory_space<vmem>> -> memref<1x128xi32, #tpu.memory_space<vmem>>
    %dma_start3A_24 = tpu.memref_squeeze %dma_start3A_23 : memref<1x128xi32, #tpu.memory_space<vmem>> -> memref<128xi32, #tpu.memory_space<vmem>>
    %dma_start3A_25 = arith.constant 0 : i32
    %dma_start3A_26 = arith.constant 0 : i32
    %dma_start3A_27 = tpu.memref_slice %arg3[%dma_start3A_25, %dma_start3A_26] : memref<2000000x64xf32, #tpu.memory_space<hbm>> -> memref<2000000x64xf32, #tpu.memory_space<hbm>>
    tpu.enqueue_indirect_dma source(%dma_start3A_27 : memref<2000000x64xf32, #tpu.memory_space<hbm>>) target(%arg9 : memref<128x64xf32, #tpu.memory_space<vmem>>) offsets(%dma_start3A_24 : memref<128xi32, #tpu.memory_space<vmem>>) semaphore(%arg14 : memref<!tpu.dma_semaphore, #tpu.memory_space<semaphore_mem>>)
    %dma_start3A_28 = arith.constant 3 : i32
    %dma_start3A_29 = arith.constant 0 : i32
    %dma_start3A_30 = tpu.memref_slice %arg6[%dma_start3A_28, %dma_start3A_29] : memref<256x128xi32, #tpu.memory_space<vmem>> -> memref<1x128xi32, #tpu.memory_space<vmem>>
    %dma_start3A_31 = tpu.memref_squeeze %dma_start3A_30 : memref<1x128xi32, #tpu.memory_space<vmem>> -> memref<128xi32, #tpu.memory_space<vmem>>
    %dma_start3A_32 = arith.constant 0 : i32
    %dma_start3A_33 = arith.constant 0 : i32
    %dma_start3A_34 = tpu.memref_slice %arg3[%dma_start3A_32, %dma_start3A_33] : memref<2000000x64xf32, #tpu.memory_space<hbm>> -> memref<2000000x64xf32, #tpu.memory_space<hbm>>
    tpu.enqueue_indirect_dma source(%dma_start3A_34 : memref<2000000x64xf32, #tpu.memory_space<hbm>>) target(%arg10 : memref<128x64xf32, #tpu.memory_space<vmem>>) offsets(%dma_start3A_31 : memref<128xi32, #tpu.memory_space<vmem>>) semaphore(%arg15 : memref<!tpu.dma_semaphore, #tpu.memory_space<semaphore_mem>>)
    %scan3A_35 = arith.constant 0 : i32
    %scan3A_36 = arith.constant 0 : i32
    %scan3A_37 = arith.constant 64 : i32
    %scan3A_38 = arith.addi %scan3A_36, %scan3A_37 : i32
    %scan3A_39 = arith.constant 1 : i32
    scf.for %scan3A_43 = %scan3A_36 to %scan3A_38 step %scan3A_39  : i32 {
      %mul3A_44 = arith.constant 4 : i32
      %mul3A_45 = arith.muli %mul3A_44, %scan3A_43 : i32
      %add3A_46 = arith.constant 0 : i32
      %add3A_47 = arith.addi %mul3A_45, %add3A_46 : i32
      %dma_wait3A = arith.constant 0 : i32
      %dma_wait3A_48 = tpu.memref_slice %arg6[%add3A_47, %dma_wait3A] : memref<256x128xi32, #tpu.memory_space<vmem>> -> memref<1x128xi32, #tpu.memory_space<vmem>>
      %dma_wait3A_49 = tpu.memref_squeeze %dma_wait3A_48 : memref<1x128xi32, #tpu.memory_space<vmem>> -> memref<128xi32, #tpu.memory_space<vmem>>
      %dma_wait3A_50 = arith.constant 0 : i32
      %dma_wait3A_51 = arith.constant 0 : i32
      %dma_wait3A_52 = tpu.memref_slice %arg3[%dma_wait3A_50, %dma_wait3A_51] : memref<2000000x64xf32, #tpu.memory_space<hbm>> -> memref<2000000x64xf32, #tpu.memory_space<hbm>>
      tpu.wait_indirect_dma semaphore(%arg12 : memref<!tpu.dma_semaphore, #tpu.memory_space<semaphore_mem>>) src(%dma_wait3A_52 : memref<2000000x64xf32, #tpu.memory_space<hbm>>) dst(%arg7 : memref<128x64xf32, #tpu.memory_space<vmem>>)
      %broadcast_in_dim3A = arith.constant 0.000000e+00 : f32
      %broadcast_in_dim3A_53 = vector.broadcast %broadcast_in_dim3A : f32 to vector<16xf32>
      %broadcast_in_dim3A_54 = arith.constant 0.000000e+00 : f32
      %broadcast_in_dim3A_55 = vector.broadcast %broadcast_in_dim3A_54 : f32 to vector<16xf32>
      %broadcast_in_dim3A_56 = arith.constant 0.000000e+00 : f32
      %broadcast_in_dim3A_57 = vector.broadcast %broadcast_in_dim3A_56 : f32 to vector<16xf32>
      %broadcast_in_dim3A_58 = arith.constant 0.000000e+00 : f32
      %broadcast_in_dim3A_59 = vector.broadcast %broadcast_in_dim3A_58 : f32 to vector<16xf32>
      %scan3A_60 = arith.constant 0 : i32
      %scan3A_61 = arith.constant 25 : i32
      %scan3A_62 = arith.addi %scan3A_60, %scan3A_61 : i32
      %scan3A_63 = arith.constant 1 : i32
      %scan3A_64:4 = scf.for %scan3A_410 = %scan3A_60 to %scan3A_62 step %scan3A_63 iter_args(%scan3A_411 = %broadcast_in_dim3A_53, %scan3A_412 = %broadcast_in_dim3A_55, %scan3A_413 = %broadcast_in_dim3A_57, %scan3A_414 = %broadcast_in_dim3A_59) -> (vector<16xf32>, vector<16xf32>, vector<16xf32>, vector<16xf32>)  : i32 {
        %mul3A_415 = arith.constant 2 : i32
        %mul3A_416 = arith.muli %mul3A_415, %scan3A_410 : i32
        %add3A_417 = arith.constant 0 : i32
        %add3A_418 = arith.addi %add3A_417, %mul3A_416 : i32
        %get3A = arith.index_cast %add3A_418 : i32 to index
        %get3A_419 = arith.constant 0 : index
        %get3A_420 = tpu.vector_load %arg7[%get3A, %get3A_419] {strides = array<i32>} : memref<128x64xf32, #tpu.memory_space<vmem>>, vector<1x16xf32>,
        %get3A_421 = vector.shape_cast %get3A_420 : vector<1x16xf32> to vector<16xf32>
        %add3A_422 = arith.constant 1 : i32
        %add3A_423 = arith.addi %add3A_418, %add3A_422 : i32
        %get3A_424 = arith.index_cast %add3A_423 : i32 to index
        %get3A_425 = arith.constant 0 : index
        %get3A_426 = tpu.vector_load %arg7[%get3A_424, %get3A_425] {strides = array<i32>} : memref<128x64xf32, #tpu.memory_space<vmem>>, vector<1x16xf32>,
        %get3A_427 = vector.shape_cast %get3A_426 : vector<1x16xf32> to vector<16xf32>
        %add3A_428 = arith.addf %get3A_421, %get3A_427 : vector<16xf32>
        %add3A_429 = arith.addf %scan3A_411, %add3A_428 : vector<16xf32>
        %get3A_430 = arith.index_cast %add3A_418 : i32 to index
        %get3A_431 = arith.constant 16 : index
        %get3A_432 = tpu.vector_load %arg7[%get3A_430, %get3A_431] {strides = array<i32>} : memref<128x64xf32, #tpu.memory_space<vmem>>, vector<1x16xf32>,
        %get3A_433 = vector.shape_cast %get3A_432 : vector<1x16xf32> to vector<16xf32>
        %add3A_434 = arith.constant 1 : i32
        %add3A_435 = arith.addi %add3A_418, %add3A_434 : i32
        %get3A_436 = arith.index_cast %add3A_435 : i32 to index
        %get3A_437 = arith.constant 16 : index
        %get3A_438 = tpu.vector_load %arg7[%get3A_436, %get3A_437] {strides = array<i32>} : memref<128x64xf32, #tpu.memory_space<vmem>>, vector<1x16xf32>,
        %get3A_439 = vector.shape_cast %get3A_438 : vector<1x16xf32> to vector<16xf32>
        %add3A_440 = arith.addf %get3A_433, %get3A_439 : vector<16xf32>
        %add3A_441 = arith.addf %scan3A_412, %add3A_440 : vector<16xf32>
        %get3A_442 = arith.index_cast %add3A_418 : i32 to index
        %get3A_443 = arith.constant 32 : index
        %get3A_444 = tpu.vector_load %arg7[%get3A_442, %get3A_443] {strides = array<i32>} : memref<128x64xf32, #tpu.memory_space<vmem>>, vector<1x16xf32>,
        %get3A_445 = vector.shape_cast %get3A_444 : vector<1x16xf32> to vector<16xf32>
        %add3A_446 = arith.constant 1 : i32
        %add3A_447 = arith.addi %add3A_418, %add3A_446 : i32
        %get3A_448 = arith.index_cast %add3A_447 : i32 to index
        %get3A_449 = arith.constant 32 : index
        %get3A_450 = tpu.vector_load %arg7[%get3A_448, %get3A_449] {strides = array<i32>} : memref<128x64xf32, #tpu.memory_space<vmem>>, vector<1x16xf32>,
        %get3A_451 = vector.shape_cast %get3A_450 : vector<1x16xf32> to vector<16xf32>
        %add3A_452 = arith.addf %get3A_445, %get3A_451 : vector<16xf32>
        %add3A_453 = arith.addf %scan3A_413, %add3A_452 : vector<16xf32>
        %get3A_454 = arith.index_cast %add3A_418 : i32 to index
        %get3A_455 = arith.constant 48 : index
        %get3A_456 = tpu.vector_load %arg7[%get3A_454, %get3A_455] {strides = array<i32>} : memref<128x64xf32, #tpu.memory_space<vmem>>, vector<1x16xf32>,
        %get3A_457 = vector.shape_cast %get3A_456 : vector<1x16xf32> to vector<16xf32>
        %add3A_458 = arith.constant 1 : i32
        %add3A_459 = arith.addi %add3A_418, %add3A_458 : i32
        %get3A_460 = arith.index_cast %add3A_459 : i32 to index
        %get3A_461 = arith.constant 48 : index
        %get3A_462 = tpu.vector_load %arg7[%get3A_460, %get3A_461] {strides = array<i32>} : memref<128x64xf32, #tpu.memory_space<vmem>>, vector<1x16xf32>,
        %get3A_463 = vector.shape_cast %get3A_462 : vector<1x16xf32> to vector<16xf32>
        %add3A_464 = arith.addf %get3A_457, %get3A_463 : vector<16xf32>
        %add3A_465 = arith.addf %scan3A_414, %add3A_464 : vector<16xf32>
        scf.yield %add3A_429, %add3A_441, %add3A_453, %add3A_465 : vector<16xf32>, vector<16xf32>, vector<16xf32>, vector<16xf32>
      }
      %scan3A_65 = arith.constant 25 : i32
      %mul3A_66 = arith.constant 2 : i32
      %mul3A_67 = arith.muli %add3A_47, %mul3A_66 : i32
      %add3A_68 = arith.constant 0 : i32
      %add3A_69 = arith.addi %mul3A_67, %add3A_68 : i32
      %swap3A = arith.index_cast %add3A_69 : i32 to index
      %swap3A_70 = arith.constant 0 : index
      %swap3A_71 = tpu.vector_load %arg11[%swap3A, %swap3A_70] {strides = array<i32>} : memref<512x64xf32, #tpu.memory_space<vmem>>, vector<1x16xf32>,
      %swap3A_72 = vector.shape_cast %swap3A_71 : vector<1x16xf32> to vector<16xf32>
      %swap3A_73 = vector.shape_cast %scan3A_64#0 : vector<16xf32> to vector<1x16xf32>
      tpu.vector_store %arg11[%swap3A, %swap3A_70], %swap3A_73 {strides = array<i32>} : memref<512x64xf32, #tpu.memory_space<vmem>>, vector<1x16xf32>,
      %swap3A_74 = arith.index_cast %add3A_69 : i32 to index
      %swap3A_75 = arith.constant 16 : index
      %swap3A_76 = tpu.vector_load %arg11[%swap3A_74, %swap3A_75] {strides = array<i32>} : memref<512x64xf32, #tpu.memory_space<vmem>>, vector<1x16xf32>,
      %swap3A_77 = vector.shape_cast %swap3A_76 : vector<1x16xf32> to vector<16xf32>
      %swap3A_78 = vector.shape_cast %scan3A_64#1 : vector<16xf32> to vector<1x16xf32>
      tpu.vector_store %arg11[%swap3A_74, %swap3A_75], %swap3A_78 {strides = array<i32>} : memref<512x64xf32, #tpu.memory_space<vmem>>, vector<1x16xf32>,
      %swap3A_79 = arith.index_cast %add3A_69 : i32 to index
      %swap3A_80 = arith.constant 32 : index
      %swap3A_81 = tpu.vector_load %arg11[%swap3A_79, %swap3A_80] {strides = array<i32>} : memref<512x64xf32, #tpu.memory_space<vmem>>, vector<1x16xf32>,
      %swap3A_82 = vector.shape_cast %swap3A_81 : vector<1x16xf32> to vector<16xf32>
      %swap3A_83 = vector.shape_cast %scan3A_64#2 : vector<16xf32> to vector<1x16xf32>
      tpu.vector_store %arg11[%swap3A_79, %swap3A_80], %swap3A_83 {strides = array<i32>} : memref<512x64xf32, #tpu.memory_space<vmem>>, vector<1x16xf32>,
      %swap3A_84 = arith.index_cast %add3A_69 : i32 to index
      %swap3A_85 = arith.constant 48 : index
      %swap3A_86 = tpu.vector_load %arg11[%swap3A_84, %swap3A_85] {strides = array<i32>} : memref<512x64xf32, #tpu.memory_space<vmem>>, vector<1x16xf32>,
      %swap3A_87 = vector.shape_cast %swap3A_86 : vector<1x16xf32> to vector<16xf32>
      %swap3A_88 = vector.shape_cast %scan3A_64#3 : vector<16xf32> to vector<1x16xf32>
      tpu.vector_store %arg11[%swap3A_84, %swap3A_85], %swap3A_88 {strides = array<i32>} : memref<512x64xf32, #tpu.memory_space<vmem>>, vector<1x16xf32>,
      %broadcast_in_dim3A_89 = arith.constant 0.000000e+00 : f32
      %broadcast_in_dim3A_90 = vector.broadcast %broadcast_in_dim3A_89 : f32 to vector<16xf32>
      %broadcast_in_dim3A_91 = arith.constant 0.000000e+00 : f32
      %broadcast_in_dim3A_92 = vector.broadcast %broadcast_in_dim3A_91 : f32 to vector<16xf32>
      %broadcast_in_dim3A_93 = arith.constant 0.000000e+00 : f32
      %broadcast_in_dim3A_94 = vector.broadcast %broadcast_in_dim3A_93 : f32 to vector<16xf32>
      %broadcast_in_dim3A_95 = arith.constant 0.000000e+00 : f32
      %broadcast_in_dim3A_96 = vector.broadcast %broadcast_in_dim3A_95 : f32 to vector<16xf32>
      %scan3A_97 = arith.constant 0 : i32
      %scan3A_98 = arith.constant 25 : i32
      %scan3A_99 = arith.addi %scan3A_97, %scan3A_98 : i32
      %scan3A_100 = arith.constant 1 : i32
      %scan3A_101:4 = scf.for %scan3A_410 = %scan3A_97 to %scan3A_99 step %scan3A_100 iter_args(%scan3A_411 = %broadcast_in_dim3A_90, %scan3A_412 = %broadcast_in_dim3A_92, %scan3A_413 = %broadcast_in_dim3A_94, %scan3A_414 = %broadcast_in_dim3A_96) -> (vector<16xf32>, vector<16xf32>, vector<16xf32>, vector<16xf32>)  : i32 {
        %mul3A_415 = arith.constant 2 : i32
        %mul3A_416 = arith.muli %mul3A_415, %scan3A_410 : i32
        %add3A_417 = arith.constant 64 : i32
        %add3A_418 = arith.addi %add3A_417, %mul3A_416 : i32
        %get3A = arith.index_cast %add3A_418 : i32 to index
        %get3A_419 = arith.constant 0 : index
        %get3A_420 = tpu.vector_load %arg7[%get3A, %get3A_419] {strides = array<i32>} : memref<128x64xf32, #tpu.memory_space<vmem>>, vector<1x16xf32>,
        %get3A_421 = vector.shape_cast %get3A_420 : vector<1x16xf32> to vector<16xf32>
        %add3A_422 = arith.constant 1 : i32
        %add3A_423 = arith.addi %add3A_418, %add3A_422 : i32
        %get3A_424 = arith.index_cast %add3A_423 : i32 to index
        %get3A_425 = arith.constant 0 : index
        %get3A_426 = tpu.vector_load %arg7[%get3A_424, %get3A_425] {strides = array<i32>} : memref<128x64xf32, #tpu.memory_space<vmem>>, vector<1x16xf32>,
        %get3A_427 = vector.shape_cast %get3A_426 : vector<1x16xf32> to vector<16xf32>
        %add3A_428 = arith.addf %get3A_421, %get3A_427 : vector<16xf32>
        %add3A_429 = arith.addf %scan3A_411, %add3A_428 : vector<16xf32>
        %get3A_430 = arith.index_cast %add3A_418 : i32 to index
        %get3A_431 = arith.constant 16 : index
        %get3A_432 = tpu.vector_load %arg7[%get3A_430, %get3A_431] {strides = array<i32>} : memref<128x64xf32, #tpu.memory_space<vmem>>, vector<1x16xf32>,
        %get3A_433 = vector.shape_cast %get3A_432 : vector<1x16xf32> to vector<16xf32>
        %add3A_434 = arith.constant 1 : i32
        %add3A_435 = arith.addi %add3A_418, %add3A_434 : i32
        %get3A_436 = arith.index_cast %add3A_435 : i32 to index
        %get3A_437 = arith.constant 16 : index
        %get3A_438 = tpu.vector_load %arg7[%get3A_436, %get3A_437] {strides = array<i32>} : memref<128x64xf32, #tpu.memory_space<vmem>>, vector<1x16xf32>,
        %get3A_439 = vector.shape_cast %get3A_438 : vector<1x16xf32> to vector<16xf32>
        %add3A_440 = arith.addf %get3A_433, %get3A_439 : vector<16xf32>
        %add3A_441 = arith.addf %scan3A_412, %add3A_440 : vector<16xf32>
        %get3A_442 = arith.index_cast %add3A_418 : i32 to index
        %get3A_443 = arith.constant 32 : index
        %get3A_444 = tpu.vector_load %arg7[%get3A_442, %get3A_443] {strides = array<i32>} : memref<128x64xf32, #tpu.memory_space<vmem>>, vector<1x16xf32>,
        %get3A_445 = vector.shape_cast %get3A_444 : vector<1x16xf32> to vector<16xf32>
        %add3A_446 = arith.constant 1 : i32
        %add3A_447 = arith.addi %add3A_418, %add3A_446 : i32
        %get3A_448 = arith.index_cast %add3A_447 : i32 to index
        %get3A_449 = arith.constant 32 : index
        %get3A_450 = tpu.vector_load %arg7[%get3A_448, %get3A_449] {strides = array<i32>} : memref<128x64xf32, #tpu.memory_space<vmem>>, vector<1x16xf32>,
        %get3A_451 = vector.shape_cast %get3A_450 : vector<1x16xf32> to vector<16xf32>
        %add3A_452 = arith.addf %get3A_445, %get3A_451 : vector<16xf32>
        %add3A_453 = arith.addf %scan3A_413, %add3A_452 : vector<16xf32>
        %get3A_454 = arith.index_cast %add3A_418 : i32 to index
        %get3A_455 = arith.constant 48 : index
        %get3A_456 = tpu.vector_load %arg7[%get3A_454, %get3A_455] {strides = array<i32>} : memref<128x64xf32, #tpu.memory_space<vmem>>, vector<1x16xf32>,
        %get3A_457 = vector.shape_cast %get3A_456 : vector<1x16xf32> to vector<16xf32>
        %add3A_458 = arith.constant 1 : i32
        %add3A_459 = arith.addi %add3A_418, %add3A_458 : i32
        %get3A_460 = arith.index_cast %add3A_459 : i32 to index
        %get3A_461 = arith.constant 48 : index
        %get3A_462 = tpu.vector_load %arg7[%get3A_460, %get3A_461] {strides = array<i32>} : memref<128x64xf32, #tpu.memory_space<vmem>>, vector<1x16xf32>,
        %get3A_463 = vector.shape_cast %get3A_462 : vector<1x16xf32> to vector<16xf32>
        %add3A_464 = arith.addf %get3A_457, %get3A_463 : vector<16xf32>
        %add3A_465 = arith.addf %scan3A_414, %add3A_464 : vector<16xf32>
        scf.yield %add3A_429, %add3A_441, %add3A_453, %add3A_465 : vector<16xf32>, vector<16xf32>, vector<16xf32>, vector<16xf32>
      }
      %scan3A_102 = arith.constant 25 : i32
      %mul3A_103 = arith.constant 2 : i32
      %mul3A_104 = arith.muli %add3A_47, %mul3A_103 : i32
      %add3A_105 = arith.constant 1 : i32
      %add3A_106 = arith.addi %mul3A_104, %add3A_105 : i32
      %swap3A_107 = arith.index_cast %add3A_106 : i32 to index
      %swap3A_108 = arith.constant 0 : index
      %swap3A_109 = tpu.vector_load %arg11[%swap3A_107, %swap3A_108] {strides = array<i32>} : memref<512x64xf32, #tpu.memory_space<vmem>>, vector<1x16xf32>,
      %swap3A_110 = vector.shape_cast %swap3A_109 : vector<1x16xf32> to vector<16xf32>
      %swap3A_111 = vector.shape_cast %scan3A_101#0 : vector<16xf32> to vector<1x16xf32>
      tpu.vector_store %arg11[%swap3A_107, %swap3A_108], %swap3A_111 {strides = array<i32>} : memref<512x64xf32, #tpu.memory_space<vmem>>, vector<1x16xf32>,
      %swap3A_112 = arith.index_cast %add3A_106 : i32 to index
      %swap3A_113 = arith.constant 16 : index
      %swap3A_114 = tpu.vector_load %arg11[%swap3A_112, %swap3A_113] {strides = array<i32>} : memref<512x64xf32, #tpu.memory_space<vmem>>, vector<1x16xf32>,
      %swap3A_115 = vector.shape_cast %swap3A_114 : vector<1x16xf32> to vector<16xf32>
      %swap3A_116 = vector.shape_cast %scan3A_101#1 : vector<16xf32> to vector<1x16xf32>
      tpu.vector_store %arg11[%swap3A_112, %swap3A_113], %swap3A_116 {strides = array<i32>} : memref<512x64xf32, #tpu.memory_space<vmem>>, vector<1x16xf32>,
      %swap3A_117 = arith.index_cast %add3A_106 : i32 to index
      %swap3A_118 = arith.constant 32 : index
      %swap3A_119 = tpu.vector_load %arg11[%swap3A_117, %swap3A_118] {strides = array<i32>} : memref<512x64xf32, #tpu.memory_space<vmem>>, vector<1x16xf32>,
      %swap3A_120 = vector.shape_cast %swap3A_119 : vector<1x16xf32> to vector<16xf32>
      %swap3A_121 = vector.shape_cast %scan3A_101#2 : vector<16xf32> to vector<1x16xf32>
      tpu.vector_store %arg11[%swap3A_117, %swap3A_118], %swap3A_121 {strides = array<i32>} : memref<512x64xf32, #tpu.memory_space<vmem>>, vector<1x16xf32>,
      %swap3A_122 = arith.index_cast %add3A_106 : i32 to index
      %swap3A_123 = arith.constant 48 : index
      %swap3A_124 = tpu.vector_load %arg11[%swap3A_122, %swap3A_123] {strides = array<i32>} : memref<512x64xf32, #tpu.memory_space<vmem>>, vector<1x16xf32>,
      %swap3A_125 = vector.shape_cast %swap3A_124 : vector<1x16xf32> to vector<16xf32>
      %swap3A_126 = vector.shape_cast %scan3A_101#3 : vector<16xf32> to vector<1x16xf32>
      tpu.vector_store %arg11[%swap3A_122, %swap3A_123], %swap3A_126 {strides = array<i32>} : memref<512x64xf32, #tpu.memory_space<vmem>>, vector<1x16xf32>,
      %add3A_127 = arith.constant 4 : i32
      %add3A_128 = arith.addi %add3A_47, %add3A_127 : i32
      %lt3A = arith.constant 256 : i32
      %lt3A_129 = arith.cmpi slt, %add3A_128, %lt3A : i32
      %convert_element_type3A = arith.extui %lt3A_129 : i1 to i32
      %cond3A = arith.constant 0 : i32
      %cond3A_130 = arith.cmpi ne, %convert_element_type3A, %cond3A : i32
      scf.if %cond3A_130 {
        %add3A_410 = arith.constant 4 : i32
        %add3A_411 = arith.addi %add3A_47, %add3A_410 : i32
        %dma_start3A_412 = arith.constant 0 : i32
        %dma_start3A_413 = tpu.memref_slice %arg6[%add3A_411, %dma_start3A_412] : memref<256x128xi32, #tpu.memory_space<vmem>> -> memref<1x128xi32, #tpu.memory_space<vmem>>
        %dma_start3A_414 = tpu.memref_squeeze %dma_start3A_413 : memref<1x128xi32, #tpu.memory_space<vmem>> -> memref<128xi32, #tpu.memory_space<vmem>>
        %dma_start3A_415 = arith.constant 0 : i32
        %dma_start3A_416 = arith.constant 0 : i32
        %dma_start3A_417 = tpu.memref_slice %arg3[%dma_start3A_415, %dma_start3A_416] : memref<2000000x64xf32, #tpu.memory_space<hbm>> -> memref<2000000x64xf32, #tpu.memory_space<hbm>>
        tpu.enqueue_indirect_dma source(%dma_start3A_417 : memref<2000000x64xf32, #tpu.memory_space<hbm>>) target(%arg7 : memref<128x64xf32, #tpu.memory_space<vmem>>) offsets(%dma_start3A_414 : memref<128xi32, #tpu.memory_space<vmem>>) semaphore(%arg12 : memref<!tpu.dma_semaphore, #tpu.memory_space<semaphore_mem>>)
      } else {
      }
      %mul3A_131 = arith.constant 4 : i32
      %mul3A_132 = arith.muli %mul3A_131, %scan3A_43 : i32
      %add3A_133 = arith.constant 1 : i32
      %add3A_134 = arith.addi %mul3A_132, %add3A_133 : i32
      %dma_wait3A_135 = arith.constant 0 : i32
      %dma_wait3A_136 = tpu.memref_slice %arg6[%add3A_134, %dma_wait3A_135] : memref<256x128xi32, #tpu.memory_space<vmem>> -> memref<1x128xi32, #tpu.memory_space<vmem>>
      %dma_wait3A_137 = tpu.memref_squeeze %dma_wait3A_136 : memref<1x128xi32, #tpu.memory_space<vmem>> -> memref<128xi32, #tpu.memory_space<vmem>>
      %dma_wait3A_138 = arith.constant 0 : i32
      %dma_wait3A_139 = arith.constant 0 : i32
      %dma_wait3A_140 = tpu.memref_slice %arg3[%dma_wait3A_138, %dma_wait3A_139] : memref<2000000x64xf32, #tpu.memory_space<hbm>> -> memref<2000000x64xf32, #tpu.memory_space<hbm>>
      tpu.wait_indirect_dma semaphore(%arg13 : memref<!tpu.dma_semaphore, #tpu.memory_space<semaphore_mem>>) src(%dma_wait3A_140 : memref<2000000x64xf32, #tpu.memory_space<hbm>>) dst(%arg8 : memref<128x64xf32, #tpu.memory_space<vmem>>)
      %broadcast_in_dim3A_141 = arith.constant 0.000000e+00 : f32
      %broadcast_in_dim3A_142 = vector.broadcast %broadcast_in_dim3A_141 : f32 to vector<16xf32>
      %broadcast_in_dim3A_143 = arith.constant 0.000000e+00 : f32
      %broadcast_in_dim3A_144 = vector.broadcast %broadcast_in_dim3A_143 : f32 to vector<16xf32>
      %broadcast_in_dim3A_145 = arith.constant 0.000000e+00 : f32
      %broadcast_in_dim3A_146 = vector.broadcast %broadcast_in_dim3A_145 : f32 to vector<16xf32>
      %broadcast_in_dim3A_147 = arith.constant 0.000000e+00 : f32
      %broadcast_in_dim3A_148 = vector.broadcast %broadcast_in_dim3A_147 : f32 to vector<16xf32>
      %scan3A_149 = arith.constant 0 : i32
      %scan3A_150 = arith.constant 25 : i32
      %scan3A_151 = arith.addi %scan3A_149, %scan3A_150 : i32
      %scan3A_152 = arith.constant 1 : i32
      %scan3A_153:4 = scf.for %scan3A_410 = %scan3A_149 to %scan3A_151 step %scan3A_152 iter_args(%scan3A_411 = %broadcast_in_dim3A_142, %scan3A_412 = %broadcast_in_dim3A_144, %scan3A_413 = %broadcast_in_dim3A_146, %scan3A_414 = %broadcast_in_dim3A_148) -> (vector<16xf32>, vector<16xf32>, vector<16xf32>, vector<16xf32>)  : i32 {
        %mul3A_415 = arith.constant 2 : i32
        %mul3A_416 = arith.muli %mul3A_415, %scan3A_410 : i32
        %add3A_417 = arith.constant 0 : i32
        %add3A_418 = arith.addi %add3A_417, %mul3A_416 : i32
        %get3A = arith.index_cast %add3A_418 : i32 to index
        %get3A_419 = arith.constant 0 : index
        %get3A_420 = tpu.vector_load %arg8[%get3A, %get3A_419] {strides = array<i32>} : memref<128x64xf32, #tpu.memory_space<vmem>>, vector<1x16xf32>,
        %get3A_421 = vector.shape_cast %get3A_420 : vector<1x16xf32> to vector<16xf32>
        %add3A_422 = arith.constant 1 : i32
        %add3A_423 = arith.addi %add3A_418, %add3A_422 : i32
        %get3A_424 = arith.index_cast %add3A_423 : i32 to index
        %get3A_425 = arith.constant 0 : index
        %get3A_426 = tpu.vector_load %arg8[%get3A_424, %get3A_425] {strides = array<i32>} : memref<128x64xf32, #tpu.memory_space<vmem>>, vector<1x16xf32>,
        %get3A_427 = vector.shape_cast %get3A_426 : vector<1x16xf32> to vector<16xf32>
        %add3A_428 = arith.addf %get3A_421, %get3A_427 : vector<16xf32>
        %add3A_429 = arith.addf %scan3A_411, %add3A_428 : vector<16xf32>
        %get3A_430 = arith.index_cast %add3A_418 : i32 to index
        %get3A_431 = arith.constant 16 : index
        %get3A_432 = tpu.vector_load %arg8[%get3A_430, %get3A_431] {strides = array<i32>} : memref<128x64xf32, #tpu.memory_space<vmem>>, vector<1x16xf32>,
        %get3A_433 = vector.shape_cast %get3A_432 : vector<1x16xf32> to vector<16xf32>
        %add3A_434 = arith.constant 1 : i32
        %add3A_435 = arith.addi %add3A_418, %add3A_434 : i32
        %get3A_436 = arith.index_cast %add3A_435 : i32 to index
        %get3A_437 = arith.constant 16 : index
        %get3A_438 = tpu.vector_load %arg8[%get3A_436, %get3A_437] {strides = array<i32>} : memref<128x64xf32, #tpu.memory_space<vmem>>, vector<1x16xf32>,
        %get3A_439 = vector.shape_cast %get3A_438 : vector<1x16xf32> to vector<16xf32>
        %add3A_440 = arith.addf %get3A_433, %get3A_439 : vector<16xf32>
        %add3A_441 = arith.addf %scan3A_412, %add3A_440 : vector<16xf32>
        %get3A_442 = arith.index_cast %add3A_418 : i32 to index
        %get3A_443 = arith.constant 32 : index
        %get3A_444 = tpu.vector_load %arg8[%get3A_442, %get3A_443] {strides = array<i32>} : memref<128x64xf32, #tpu.memory_space<vmem>>, vector<1x16xf32>,
        %get3A_445 = vector.shape_cast %get3A_444 : vector<1x16xf32> to vector<16xf32>
        %add3A_446 = arith.constant 1 : i32
        %add3A_447 = arith.addi %add3A_418, %add3A_446 : i32
        %get3A_448 = arith.index_cast %add3A_447 : i32 to index
        %get3A_449 = arith.constant 32 : index
        %get3A_450 = tpu.vector_load %arg8[%get3A_448, %get3A_449] {strides = array<i32>} : memref<128x64xf32, #tpu.memory_space<vmem>>, vector<1x16xf32>,
        %get3A_451 = vector.shape_cast %get3A_450 : vector<1x16xf32> to vector<16xf32>
        %add3A_452 = arith.addf %get3A_445, %get3A_451 : vector<16xf32>
        %add3A_453 = arith.addf %scan3A_413, %add3A_452 : vector<16xf32>
        %get3A_454 = arith.index_cast %add3A_418 : i32 to index
        %get3A_455 = arith.constant 48 : index
        %get3A_456 = tpu.vector_load %arg8[%get3A_454, %get3A_455] {strides = array<i32>} : memref<128x64xf32, #tpu.memory_space<vmem>>, vector<1x16xf32>,
        %get3A_457 = vector.shape_cast %get3A_456 : vector<1x16xf32> to vector<16xf32>
        %add3A_458 = arith.constant 1 : i32
        %add3A_459 = arith.addi %add3A_418, %add3A_458 : i32
        %get3A_460 = arith.index_cast %add3A_459 : i32 to index
        %get3A_461 = arith.constant 48 : index
        %get3A_462 = tpu.vector_load %arg8[%get3A_460, %get3A_461] {strides = array<i32>} : memref<128x64xf32, #tpu.memory_space<vmem>>, vector<1x16xf32>,
        %get3A_463 = vector.shape_cast %get3A_462 : vector<1x16xf32> to vector<16xf32>
        %add3A_464 = arith.addf %get3A_457, %get3A_463 : vector<16xf32>
        %add3A_465 = arith.addf %scan3A_414, %add3A_464 : vector<16xf32>
        scf.yield %add3A_429, %add3A_441, %add3A_453, %add3A_465 : vector<16xf32>, vector<16xf32>, vector<16xf32>, vector<16xf32>
      }
      %scan3A_154 = arith.constant 25 : i32
      %mul3A_155 = arith.constant 2 : i32
      %mul3A_156 = arith.muli %add3A_134, %mul3A_155 : i32
      %add3A_157 = arith.constant 0 : i32
      %add3A_158 = arith.addi %mul3A_156, %add3A_157 : i32
      %swap3A_159 = arith.index_cast %add3A_158 : i32 to index
      %swap3A_160 = arith.constant 0 : index
      %swap3A_161 = tpu.vector_load %arg11[%swap3A_159, %swap3A_160] {strides = array<i32>} : memref<512x64xf32, #tpu.memory_space<vmem>>, vector<1x16xf32>,
      %swap3A_162 = vector.shape_cast %swap3A_161 : vector<1x16xf32> to vector<16xf32>
      %swap3A_163 = vector.shape_cast %scan3A_153#0 : vector<16xf32> to vector<1x16xf32>
      tpu.vector_store %arg11[%swap3A_159, %swap3A_160], %swap3A_163 {strides = array<i32>} : memref<512x64xf32, #tpu.memory_space<vmem>>, vector<1x16xf32>,
      %swap3A_164 = arith.index_cast %add3A_158 : i32 to index
      %swap3A_165 = arith.constant 16 : index
      %swap3A_166 = tpu.vector_load %arg11[%swap3A_164, %swap3A_165] {strides = array<i32>} : memref<512x64xf32, #tpu.memory_space<vmem>>, vector<1x16xf32>,
      %swap3A_167 = vector.shape_cast %swap3A_166 : vector<1x16xf32> to vector<16xf32>
      %swap3A_168 = vector.shape_cast %scan3A_153#1 : vector<16xf32> to vector<1x16xf32>
      tpu.vector_store %arg11[%swap3A_164, %swap3A_165], %swap3A_168 {strides = array<i32>} : memref<512x64xf32, #tpu.memory_space<vmem>>, vector<1x16xf32>,
      %swap3A_169 = arith.index_cast %add3A_158 : i32 to index
      %swap3A_170 = arith.constant 32 : index
      %swap3A_171 = tpu.vector_load %arg11[%swap3A_169, %swap3A_170] {strides = array<i32>} : memref<512x64xf32, #tpu.memory_space<vmem>>, vector<1x16xf32>,
      %swap3A_172 = vector.shape_cast %swap3A_171 : vector<1x16xf32> to vector<16xf32>
      %swap3A_173 = vector.shape_cast %scan3A_153#2 : vector<16xf32> to vector<1x16xf32>
      tpu.vector_store %arg11[%swap3A_169, %swap3A_170], %swap3A_173 {strides = array<i32>} : memref<512x64xf32, #tpu.memory_space<vmem>>, vector<1x16xf32>,
      %swap3A_174 = arith.index_cast %add3A_158 : i32 to index
      %swap3A_175 = arith.constant 48 : index
      %swap3A_176 = tpu.vector_load %arg11[%swap3A_174, %swap3A_175] {strides = array<i32>} : memref<512x64xf32, #tpu.memory_space<vmem>>, vector<1x16xf32>,
      %swap3A_177 = vector.shape_cast %swap3A_176 : vector<1x16xf32> to vector<16xf32>
      %swap3A_178 = vector.shape_cast %scan3A_153#3 : vector<16xf32> to vector<1x16xf32>
      tpu.vector_store %arg11[%swap3A_174, %swap3A_175], %swap3A_178 {strides = array<i32>} : memref<512x64xf32, #tpu.memory_space<vmem>>, vector<1x16xf32>,
      %broadcast_in_dim3A_179 = arith.constant 0.000000e+00 : f32
      %broadcast_in_dim3A_180 = vector.broadcast %broadcast_in_dim3A_179 : f32 to vector<16xf32>
      %broadcast_in_dim3A_181 = arith.constant 0.000000e+00 : f32
      %broadcast_in_dim3A_182 = vector.broadcast %broadcast_in_dim3A_181 : f32 to vector<16xf32>
      %broadcast_in_dim3A_183 = arith.constant 0.000000e+00 : f32
      %broadcast_in_dim3A_184 = vector.broadcast %broadcast_in_dim3A_183 : f32 to vector<16xf32>
      %broadcast_in_dim3A_185 = arith.constant 0.000000e+00 : f32
      %broadcast_in_dim3A_186 = vector.broadcast %broadcast_in_dim3A_185 : f32 to vector<16xf32>
      %scan3A_187 = arith.constant 0 : i32
      %scan3A_188 = arith.constant 25 : i32
      %scan3A_189 = arith.addi %scan3A_187, %scan3A_188 : i32
      %scan3A_190 = arith.constant 1 : i32
      %scan3A_191:4 = scf.for %scan3A_410 = %scan3A_187 to %scan3A_189 step %scan3A_190 iter_args(%scan3A_411 = %broadcast_in_dim3A_180, %scan3A_412 = %broadcast_in_dim3A_182, %scan3A_413 = %broadcast_in_dim3A_184, %scan3A_414 = %broadcast_in_dim3A_186) -> (vector<16xf32>, vector<16xf32>, vector<16xf32>, vector<16xf32>)  : i32 {
        %mul3A_415 = arith.constant 2 : i32
        %mul3A_416 = arith.muli %mul3A_415, %scan3A_410 : i32
        %add3A_417 = arith.constant 64 : i32
        %add3A_418 = arith.addi %add3A_417, %mul3A_416 : i32
        %get3A = arith.index_cast %add3A_418 : i32 to index
        %get3A_419 = arith.constant 0 : index
        %get3A_420 = tpu.vector_load %arg8[%get3A, %get3A_419] {strides = array<i32>} : memref<128x64xf32, #tpu.memory_space<vmem>>, vector<1x16xf32>,
        %get3A_421 = vector.shape_cast %get3A_420 : vector<1x16xf32> to vector<16xf32>
        %add3A_422 = arith.constant 1 : i32
        %add3A_423 = arith.addi %add3A_418, %add3A_422 : i32
        %get3A_424 = arith.index_cast %add3A_423 : i32 to index
        %get3A_425 = arith.constant 0 : index
        %get3A_426 = tpu.vector_load %arg8[%get3A_424, %get3A_425] {strides = array<i32>} : memref<128x64xf32, #tpu.memory_space<vmem>>, vector<1x16xf32>,
        %get3A_427 = vector.shape_cast %get3A_426 : vector<1x16xf32> to vector<16xf32>
        %add3A_428 = arith.addf %get3A_421, %get3A_427 : vector<16xf32>
        %add3A_429 = arith.addf %scan3A_411, %add3A_428 : vector<16xf32>
        %get3A_430 = arith.index_cast %add3A_418 : i32 to index
        %get3A_431 = arith.constant 16 : index
        %get3A_432 = tpu.vector_load %arg8[%get3A_430, %get3A_431] {strides = array<i32>} : memref<128x64xf32, #tpu.memory_space<vmem>>, vector<1x16xf32>,
        %get3A_433 = vector.shape_cast %get3A_432 : vector<1x16xf32> to vector<16xf32>
        %add3A_434 = arith.constant 1 : i32
        %add3A_435 = arith.addi %add3A_418, %add3A_434 : i32
        %get3A_436 = arith.index_cast %add3A_435 : i32 to index
        %get3A_437 = arith.constant 16 : index
        %get3A_438 = tpu.vector_load %arg8[%get3A_436, %get3A_437] {strides = array<i32>} : memref<128x64xf32, #tpu.memory_space<vmem>>, vector<1x16xf32>,
        %get3A_439 = vector.shape_cast %get3A_438 : vector<1x16xf32> to vector<16xf32>
        %add3A_440 = arith.addf %get3A_433, %get3A_439 : vector<16xf32>
        %add3A_441 = arith.addf %scan3A_412, %add3A_440 : vector<16xf32>
        %get3A_442 = arith.index_cast %add3A_418 : i32 to index
        %get3A_443 = arith.constant 32 : index
        %get3A_444 = tpu.vector_load %arg8[%get3A_442, %get3A_443] {strides = array<i32>} : memref<128x64xf32, #tpu.memory_space<vmem>>, vector<1x16xf32>,
        %get3A_445 = vector.shape_cast %get3A_444 : vector<1x16xf32> to vector<16xf32>
        %add3A_446 = arith.constant 1 : i32
        %add3A_447 = arith.addi %add3A_418, %add3A_446 : i32
        %get3A_448 = arith.index_cast %add3A_447 : i32 to index
        %get3A_449 = arith.constant 32 : index
        %get3A_450 = tpu.vector_load %arg8[%get3A_448, %get3A_449] {strides = array<i32>} : memref<128x64xf32, #tpu.memory_space<vmem>>, vector<1x16xf32>,
        %get3A_451 = vector.shape_cast %get3A_450 : vector<1x16xf32> to vector<16xf32>
        %add3A_452 = arith.addf %get3A_445, %get3A_451 : vector<16xf32>
        %add3A_453 = arith.addf %scan3A_413, %add3A_452 : vector<16xf32>
        %get3A_454 = arith.index_cast %add3A_418 : i32 to index
        %get3A_455 = arith.constant 48 : index
        %get3A_456 = tpu.vector_load %arg8[%get3A_454, %get3A_455] {strides = array<i32>} : memref<128x64xf32, #tpu.memory_space<vmem>>, vector<1x16xf32>,
        %get3A_457 = vector.shape_cast %get3A_456 : vector<1x16xf32> to vector<16xf32>
        %add3A_458 = arith.constant 1 : i32
        %add3A_459 = arith.addi %add3A_418, %add3A_458 : i32
        %get3A_460 = arith.index_cast %add3A_459 : i32 to index
        %get3A_461 = arith.constant 48 : index
        %get3A_462 = tpu.vector_load %arg8[%get3A_460, %get3A_461] {strides = array<i32>} : memref<128x64xf32, #tpu.memory_space<vmem>>, vector<1x16xf32>,
        %get3A_463 = vector.shape_cast %get3A_462 : vector<1x16xf32> to vector<16xf32>
        %add3A_464 = arith.addf %get3A_457, %get3A_463 : vector<16xf32>
        %add3A_465 = arith.addf %scan3A_414, %add3A_464 : vector<16xf32>
        scf.yield %add3A_429, %add3A_441, %add3A_453, %add3A_465 : vector<16xf32>, vector<16xf32>, vector<16xf32>, vector<16xf32>
      }
      %scan3A_192 = arith.constant 25 : i32
      %mul3A_193 = arith.constant 2 : i32
      %mul3A_194 = arith.muli %add3A_134, %mul3A_193 : i32
      %add3A_195 = arith.constant 1 : i32
      %add3A_196 = arith.addi %mul3A_194, %add3A_195 : i32
      %swap3A_197 = arith.index_cast %add3A_196 : i32 to index
      %swap3A_198 = arith.constant 0 : index
      %swap3A_199 = tpu.vector_load %arg11[%swap3A_197, %swap3A_198] {strides = array<i32>} : memref<512x64xf32, #tpu.memory_space<vmem>>, vector<1x16xf32>,
      %swap3A_200 = vector.shape_cast %swap3A_199 : vector<1x16xf32> to vector<16xf32>
      %swap3A_201 = vector.shape_cast %scan3A_191#0 : vector<16xf32> to vector<1x16xf32>
      tpu.vector_store %arg11[%swap3A_197, %swap3A_198], %swap3A_201 {strides = array<i32>} : memref<512x64xf32, #tpu.memory_space<vmem>>, vector<1x16xf32>,
      %swap3A_202 = arith.index_cast %add3A_196 : i32 to index
      %swap3A_203 = arith.constant 16 : index
      %swap3A_204 = tpu.vector_load %arg11[%swap3A_202, %swap3A_203] {strides = array<i32>} : memref<512x64xf32, #tpu.memory_space<vmem>>, vector<1x16xf32>,
      %swap3A_205 = vector.shape_cast %swap3A_204 : vector<1x16xf32> to vector<16xf32>
      %swap3A_206 = vector.shape_cast %scan3A_191#1 : vector<16xf32> to vector<1x16xf32>
      tpu.vector_store %arg11[%swap3A_202, %swap3A_203], %swap3A_206 {strides = array<i32>} : memref<512x64xf32, #tpu.memory_space<vmem>>, vector<1x16xf32>,
      %swap3A_207 = arith.index_cast %add3A_196 : i32 to index
      %swap3A_208 = arith.constant 32 : index
      %swap3A_209 = tpu.vector_load %arg11[%swap3A_207, %swap3A_208] {strides = array<i32>} : memref<512x64xf32, #tpu.memory_space<vmem>>, vector<1x16xf32>,
      %swap3A_210 = vector.shape_cast %swap3A_209 : vector<1x16xf32> to vector<16xf32>
      %swap3A_211 = vector.shape_cast %scan3A_191#2 : vector<16xf32> to vector<1x16xf32>
      tpu.vector_store %arg11[%swap3A_207, %swap3A_208], %swap3A_211 {strides = array<i32>} : memref<512x64xf32, #tpu.memory_space<vmem>>, vector<1x16xf32>,
      %swap3A_212 = arith.index_cast %add3A_196 : i32 to index
      %swap3A_213 = arith.constant 48 : index
      %swap3A_214 = tpu.vector_load %arg11[%swap3A_212, %swap3A_213] {strides = array<i32>} : memref<512x64xf32, #tpu.memory_space<vmem>>, vector<1x16xf32>,
      %swap3A_215 = vector.shape_cast %swap3A_214 : vector<1x16xf32> to vector<16xf32>
      %swap3A_216 = vector.shape_cast %scan3A_191#3 : vector<16xf32> to vector<1x16xf32>
      tpu.vector_store %arg11[%swap3A_212, %swap3A_213], %swap3A_216 {strides = array<i32>} : memref<512x64xf32, #tpu.memory_space<vmem>>, vector<1x16xf32>,
      %add3A_217 = arith.constant 4 : i32
      %add3A_218 = arith.addi %add3A_134, %add3A_217 : i32
      %lt3A_219 = arith.constant 256 : i32
      %lt3A_220 = arith.cmpi slt, %add3A_218, %lt3A_219 : i32
      %convert_element_type3A_221 = arith.extui %lt3A_220 : i1 to i32
      %cond3A_222 = arith.constant 0 : i32
      %cond3A_223 = arith.cmpi ne, %convert_element_type3A_221, %cond3A_222 : i32
      scf.if %cond3A_223 {
        %add3A_410 = arith.constant 4 : i32
        %add3A_411 = arith.addi %add3A_134, %add3A_410 : i32
        %dma_start3A_412 = arith.constant 0 : i32
        %dma_start3A_413 = tpu.memref_slice %arg6[%add3A_411, %dma_start3A_412] : memref<256x128xi32, #tpu.memory_space<vmem>> -> memref<1x128xi32, #tpu.memory_space<vmem>>
        %dma_start3A_414 = tpu.memref_squeeze %dma_start3A_413 : memref<1x128xi32, #tpu.memory_space<vmem>> -> memref<128xi32, #tpu.memory_space<vmem>>
        %dma_start3A_415 = arith.constant 0 : i32
        %dma_start3A_416 = arith.constant 0 : i32
        %dma_start3A_417 = tpu.memref_slice %arg3[%dma_start3A_415, %dma_start3A_416] : memref<2000000x64xf32, #tpu.memory_space<hbm>> -> memref<2000000x64xf32, #tpu.memory_space<hbm>>
        tpu.enqueue_indirect_dma source(%dma_start3A_417 : memref<2000000x64xf32, #tpu.memory_space<hbm>>) target(%arg8 : memref<128x64xf32, #tpu.memory_space<vmem>>) offsets(%dma_start3A_414 : memref<128xi32, #tpu.memory_space<vmem>>) semaphore(%arg13 : memref<!tpu.dma_semaphore, #tpu.memory_space<semaphore_mem>>)
      } else {
      }
      %mul3A_224 = arith.constant 4 : i32
      %mul3A_225 = arith.muli %mul3A_224, %scan3A_43 : i32
      %add3A_226 = arith.constant 2 : i32
      %add3A_227 = arith.addi %mul3A_225, %add3A_226 : i32
      %dma_wait3A_228 = arith.constant 0 : i32
      %dma_wait3A_229 = tpu.memref_slice %arg6[%add3A_227, %dma_wait3A_228] : memref<256x128xi32, #tpu.memory_space<vmem>> -> memref<1x128xi32, #tpu.memory_space<vmem>>
      %dma_wait3A_230 = tpu.memref_squeeze %dma_wait3A_229 : memref<1x128xi32, #tpu.memory_space<vmem>> -> memref<128xi32, #tpu.memory_space<vmem>>
      %dma_wait3A_231 = arith.constant 0 : i32
      %dma_wait3A_232 = arith.constant 0 : i32
      %dma_wait3A_233 = tpu.memref_slice %arg3[%dma_wait3A_231, %dma_wait3A_232] : memref<2000000x64xf32, #tpu.memory_space<hbm>> -> memref<2000000x64xf32, #tpu.memory_space<hbm>>
      tpu.wait_indirect_dma semaphore(%arg14 : memref<!tpu.dma_semaphore, #tpu.memory_space<semaphore_mem>>) src(%dma_wait3A_233 : memref<2000000x64xf32, #tpu.memory_space<hbm>>) dst(%arg9 : memref<128x64xf32, #tpu.memory_space<vmem>>)
      %broadcast_in_dim3A_234 = arith.constant 0.000000e+00 : f32
      %broadcast_in_dim3A_235 = vector.broadcast %broadcast_in_dim3A_234 : f32 to vector<16xf32>
      %broadcast_in_dim3A_236 = arith.constant 0.000000e+00 : f32
      %broadcast_in_dim3A_237 = vector.broadcast %broadcast_in_dim3A_236 : f32 to vector<16xf32>
      %broadcast_in_dim3A_238 = arith.constant 0.000000e+00 : f32
      %broadcast_in_dim3A_239 = vector.broadcast %broadcast_in_dim3A_238 : f32 to vector<16xf32>
      %broadcast_in_dim3A_240 = arith.constant 0.000000e+00 : f32
      %broadcast_in_dim3A_241 = vector.broadcast %broadcast_in_dim3A_240 : f32 to vector<16xf32>
      %scan3A_242 = arith.constant 0 : i32
      %scan3A_243 = arith.constant 25 : i32
      %scan3A_244 = arith.addi %scan3A_242, %scan3A_243 : i32
      %scan3A_245 = arith.constant 1 : i32
      %scan3A_246:4 = scf.for %scan3A_410 = %scan3A_242 to %scan3A_244 step %scan3A_245 iter_args(%scan3A_411 = %broadcast_in_dim3A_235, %scan3A_412 = %broadcast_in_dim3A_237, %scan3A_413 = %broadcast_in_dim3A_239, %scan3A_414 = %broadcast_in_dim3A_241) -> (vector<16xf32>, vector<16xf32>, vector<16xf32>, vector<16xf32>)  : i32 {
        %mul3A_415 = arith.constant 2 : i32
        %mul3A_416 = arith.muli %mul3A_415, %scan3A_410 : i32
        %add3A_417 = arith.constant 0 : i32
        %add3A_418 = arith.addi %add3A_417, %mul3A_416 : i32
        %get3A = arith.index_cast %add3A_418 : i32 to index
        %get3A_419 = arith.constant 0 : index
        %get3A_420 = tpu.vector_load %arg9[%get3A, %get3A_419] {strides = array<i32>} : memref<128x64xf32, #tpu.memory_space<vmem>>, vector<1x16xf32>,
        %get3A_421 = vector.shape_cast %get3A_420 : vector<1x16xf32> to vector<16xf32>
        %add3A_422 = arith.constant 1 : i32
        %add3A_423 = arith.addi %add3A_418, %add3A_422 : i32
        %get3A_424 = arith.index_cast %add3A_423 : i32 to index
        %get3A_425 = arith.constant 0 : index
        %get3A_426 = tpu.vector_load %arg9[%get3A_424, %get3A_425] {strides = array<i32>} : memref<128x64xf32, #tpu.memory_space<vmem>>, vector<1x16xf32>,
        %get3A_427 = vector.shape_cast %get3A_426 : vector<1x16xf32> to vector<16xf32>
        %add3A_428 = arith.addf %get3A_421, %get3A_427 : vector<16xf32>
        %add3A_429 = arith.addf %scan3A_411, %add3A_428 : vector<16xf32>
        %get3A_430 = arith.index_cast %add3A_418 : i32 to index
        %get3A_431 = arith.constant 16 : index
        %get3A_432 = tpu.vector_load %arg9[%get3A_430, %get3A_431] {strides = array<i32>} : memref<128x64xf32, #tpu.memory_space<vmem>>, vector<1x16xf32>,
        %get3A_433 = vector.shape_cast %get3A_432 : vector<1x16xf32> to vector<16xf32>
        %add3A_434 = arith.constant 1 : i32
        %add3A_435 = arith.addi %add3A_418, %add3A_434 : i32
        %get3A_436 = arith.index_cast %add3A_435 : i32 to index
        %get3A_437 = arith.constant 16 : index
        %get3A_438 = tpu.vector_load %arg9[%get3A_436, %get3A_437] {strides = array<i32>} : memref<128x64xf32, #tpu.memory_space<vmem>>, vector<1x16xf32>,
        %get3A_439 = vector.shape_cast %get3A_438 : vector<1x16xf32> to vector<16xf32>
        %add3A_440 = arith.addf %get3A_433, %get3A_439 : vector<16xf32>
        %add3A_441 = arith.addf %scan3A_412, %add3A_440 : vector<16xf32>
        %get3A_442 = arith.index_cast %add3A_418 : i32 to index
        %get3A_443 = arith.constant 32 : index
        %get3A_444 = tpu.vector_load %arg9[%get3A_442, %get3A_443] {strides = array<i32>} : memref<128x64xf32, #tpu.memory_space<vmem>>, vector<1x16xf32>,
        %get3A_445 = vector.shape_cast %get3A_444 : vector<1x16xf32> to vector<16xf32>
        %add3A_446 = arith.constant 1 : i32
        %add3A_447 = arith.addi %add3A_418, %add3A_446 : i32
        %get3A_448 = arith.index_cast %add3A_447 : i32 to index
        %get3A_449 = arith.constant 32 : index
        %get3A_450 = tpu.vector_load %arg9[%get3A_448, %get3A_449] {strides = array<i32>} : memref<128x64xf32, #tpu.memory_space<vmem>>, vector<1x16xf32>,
        %get3A_451 = vector.shape_cast %get3A_450 : vector<1x16xf32> to vector<16xf32>
        %add3A_452 = arith.addf %get3A_445, %get3A_451 : vector<16xf32>
        %add3A_453 = arith.addf %scan3A_413, %add3A_452 : vector<16xf32>
        %get3A_454 = arith.index_cast %add3A_418 : i32 to index
        %get3A_455 = arith.constant 48 : index
        %get3A_456 = tpu.vector_load %arg9[%get3A_454, %get3A_455] {strides = array<i32>} : memref<128x64xf32, #tpu.memory_space<vmem>>, vector<1x16xf32>,
        %get3A_457 = vector.shape_cast %get3A_456 : vector<1x16xf32> to vector<16xf32>
        %add3A_458 = arith.constant 1 : i32
        %add3A_459 = arith.addi %add3A_418, %add3A_458 : i32
        %get3A_460 = arith.index_cast %add3A_459 : i32 to index
        %get3A_461 = arith.constant 48 : index
        %get3A_462 = tpu.vector_load %arg9[%get3A_460, %get3A_461] {strides = array<i32>} : memref<128x64xf32, #tpu.memory_space<vmem>>, vector<1x16xf32>,
        %get3A_463 = vector.shape_cast %get3A_462 : vector<1x16xf32> to vector<16xf32>
        %add3A_464 = arith.addf %get3A_457, %get3A_463 : vector<16xf32>
        %add3A_465 = arith.addf %scan3A_414, %add3A_464 : vector<16xf32>
        scf.yield %add3A_429, %add3A_441, %add3A_453, %add3A_465 : vector<16xf32>, vector<16xf32>, vector<16xf32>, vector<16xf32>
      }
      %scan3A_247 = arith.constant 25 : i32
      %mul3A_248 = arith.constant 2 : i32
      %mul3A_249 = arith.muli %add3A_227, %mul3A_248 : i32
      %add3A_250 = arith.constant 0 : i32
      %add3A_251 = arith.addi %mul3A_249, %add3A_250 : i32
      %swap3A_252 = arith.index_cast %add3A_251 : i32 to index
      %swap3A_253 = arith.constant 0 : index
      %swap3A_254 = tpu.vector_load %arg11[%swap3A_252, %swap3A_253] {strides = array<i32>} : memref<512x64xf32, #tpu.memory_space<vmem>>, vector<1x16xf32>,
      %swap3A_255 = vector.shape_cast %swap3A_254 : vector<1x16xf32> to vector<16xf32>
      %swap3A_256 = vector.shape_cast %scan3A_246#0 : vector<16xf32> to vector<1x16xf32>
      tpu.vector_store %arg11[%swap3A_252, %swap3A_253], %swap3A_256 {strides = array<i32>} : memref<512x64xf32, #tpu.memory_space<vmem>>, vector<1x16xf32>,
      %swap3A_257 = arith.index_cast %add3A_251 : i32 to index
      %swap3A_258 = arith.constant 16 : index
      %swap3A_259 = tpu.vector_load %arg11[%swap3A_257, %swap3A_258] {strides = array<i32>} : memref<512x64xf32, #tpu.memory_space<vmem>>, vector<1x16xf32>,
      %swap3A_260 = vector.shape_cast %swap3A_259 : vector<1x16xf32> to vector<16xf32>
      %swap3A_261 = vector.shape_cast %scan3A_246#1 : vector<16xf32> to vector<1x16xf32>
      tpu.vector_store %arg11[%swap3A_257, %swap3A_258], %swap3A_261 {strides = array<i32>} : memref<512x64xf32, #tpu.memory_space<vmem>>, vector<1x16xf32>,
      %swap3A_262 = arith.index_cast %add3A_251 : i32 to index
      %swap3A_263 = arith.constant 32 : index
      %swap3A_264 = tpu.vector_load %arg11[%swap3A_262, %swap3A_263] {strides = array<i32>} : memref<512x64xf32, #tpu.memory_space<vmem>>, vector<1x16xf32>,
      %swap3A_265 = vector.shape_cast %swap3A_264 : vector<1x16xf32> to vector<16xf32>
      %swap3A_266 = vector.shape_cast %scan3A_246#2 : vector<16xf32> to vector<1x16xf32>
      tpu.vector_store %arg11[%swap3A_262, %swap3A_263], %swap3A_266 {strides = array<i32>} : memref<512x64xf32, #tpu.memory_space<vmem>>, vector<1x16xf32>,
      %swap3A_267 = arith.index_cast %add3A_251 : i32 to index
      %swap3A_268 = arith.constant 48 : index
      %swap3A_269 = tpu.vector_load %arg11[%swap3A_267, %swap3A_268] {strides = array<i32>} : memref<512x64xf32, #tpu.memory_space<vmem>>, vector<1x16xf32>,
      %swap3A_270 = vector.shape_cast %swap3A_269 : vector<1x16xf32> to vector<16xf32>
      %swap3A_271 = vector.shape_cast %scan3A_246#3 : vector<16xf32> to vector<1x16xf32>
      tpu.vector_store %arg11[%swap3A_267, %swap3A_268], %swap3A_271 {strides = array<i32>} : memref<512x64xf32, #tpu.memory_space<vmem>>, vector<1x16xf32>,
      %broadcast_in_dim3A_272 = arith.constant 0.000000e+00 : f32
      %broadcast_in_dim3A_273 = vector.broadcast %broadcast_in_dim3A_272 : f32 to vector<16xf32>
      %broadcast_in_dim3A_274 = arith.constant 0.000000e+00 : f32
      %broadcast_in_dim3A_275 = vector.broadcast %broadcast_in_dim3A_274 : f32 to vector<16xf32>
      %broadcast_in_dim3A_276 = arith.constant 0.000000e+00 : f32
      %broadcast_in_dim3A_277 = vector.broadcast %broadcast_in_dim3A_276 : f32 to vector<16xf32>
      %broadcast_in_dim3A_278 = arith.constant 0.000000e+00 : f32
      %broadcast_in_dim3A_279 = vector.broadcast %broadcast_in_dim3A_278 : f32 to vector<16xf32>
      %scan3A_280 = arith.constant 0 : i32
      %scan3A_281 = arith.constant 25 : i32
      %scan3A_282 = arith.addi %scan3A_280, %scan3A_281 : i32
      %scan3A_283 = arith.constant 1 : i32
      %scan3A_284:4 = scf.for %scan3A_410 = %scan3A_280 to %scan3A_282 step %scan3A_283 iter_args(%scan3A_411 = %broadcast_in_dim3A_273, %scan3A_412 = %broadcast_in_dim3A_275, %scan3A_413 = %broadcast_in_dim3A_277, %scan3A_414 = %broadcast_in_dim3A_279) -> (vector<16xf32>, vector<16xf32>, vector<16xf32>, vector<16xf32>)  : i32 {
        %mul3A_415 = arith.constant 2 : i32
        %mul3A_416 = arith.muli %mul3A_415, %scan3A_410 : i32
        %add3A_417 = arith.constant 64 : i32
        %add3A_418 = arith.addi %add3A_417, %mul3A_416 : i32
        %get3A = arith.index_cast %add3A_418 : i32 to index
        %get3A_419 = arith.constant 0 : index
        %get3A_420 = tpu.vector_load %arg9[%get3A, %get3A_419] {strides = array<i32>} : memref<128x64xf32, #tpu.memory_space<vmem>>, vector<1x16xf32>,
        %get3A_421 = vector.shape_cast %get3A_420 : vector<1x16xf32> to vector<16xf32>
        %add3A_422 = arith.constant 1 : i32
        %add3A_423 = arith.addi %add3A_418, %add3A_422 : i32
        %get3A_424 = arith.index_cast %add3A_423 : i32 to index
        %get3A_425 = arith.constant 0 : index
        %get3A_426 = tpu.vector_load %arg9[%get3A_424, %get3A_425] {strides = array<i32>} : memref<128x64xf32, #tpu.memory_space<vmem>>, vector<1x16xf32>,
        %get3A_427 = vector.shape_cast %get3A_426 : vector<1x16xf32> to vector<16xf32>
        %add3A_428 = arith.addf %get3A_421, %get3A_427 : vector<16xf32>
        %add3A_429 = arith.addf %scan3A_411, %add3A_428 : vector<16xf32>
        %get3A_430 = arith.index_cast %add3A_418 : i32 to index
        %get3A_431 = arith.constant 16 : index
        %get3A_432 = tpu.vector_load %arg9[%get3A_430, %get3A_431] {strides = array<i32>} : memref<128x64xf32, #tpu.memory_space<vmem>>, vector<1x16xf32>,
        %get3A_433 = vector.shape_cast %get3A_432 : vector<1x16xf32> to vector<16xf32>
        %add3A_434 = arith.constant 1 : i32
        %add3A_435 = arith.addi %add3A_418, %add3A_434 : i32
        %get3A_436 = arith.index_cast %add3A_435 : i32 to index
        %get3A_437 = arith.constant 16 : index
        %get3A_438 = tpu.vector_load %arg9[%get3A_436, %get3A_437] {strides = array<i32>} : memref<128x64xf32, #tpu.memory_space<vmem>>, vector<1x16xf32>,
        %get3A_439 = vector.shape_cast %get3A_438 : vector<1x16xf32> to vector<16xf32>
        %add3A_440 = arith.addf %get3A_433, %get3A_439 : vector<16xf32>
        %add3A_441 = arith.addf %scan3A_412, %add3A_440 : vector<16xf32>
        %get3A_442 = arith.index_cast %add3A_418 : i32 to index
        %get3A_443 = arith.constant 32 : index
        %get3A_444 = tpu.vector_load %arg9[%get3A_442, %get3A_443] {strides = array<i32>} : memref<128x64xf32, #tpu.memory_space<vmem>>, vector<1x16xf32>,
        %get3A_445 = vector.shape_cast %get3A_444 : vector<1x16xf32> to vector<16xf32>
        %add3A_446 = arith.constant 1 : i32
        %add3A_447 = arith.addi %add3A_418, %add3A_446 : i32
        %get3A_448 = arith.index_cast %add3A_447 : i32 to index
        %get3A_449 = arith.constant 32 : index
        %get3A_450 = tpu.vector_load %arg9[%get3A_448, %get3A_449] {strides = array<i32>} : memref<128x64xf32, #tpu.memory_space<vmem>>, vector<1x16xf32>,
        %get3A_451 = vector.shape_cast %get3A_450 : vector<1x16xf32> to vector<16xf32>
        %add3A_452 = arith.addf %get3A_445, %get3A_451 : vector<16xf32>
        %add3A_453 = arith.addf %scan3A_413, %add3A_452 : vector<16xf32>
        %get3A_454 = arith.index_cast %add3A_418 : i32 to index
        %get3A_455 = arith.constant 48 : index
        %get3A_456 = tpu.vector_load %arg9[%get3A_454, %get3A_455] {strides = array<i32>} : memref<128x64xf32, #tpu.memory_space<vmem>>, vector<1x16xf32>,
        %get3A_457 = vector.shape_cast %get3A_456 : vector<1x16xf32> to vector<16xf32>
        %add3A_458 = arith.constant 1 : i32
        %add3A_459 = arith.addi %add3A_418, %add3A_458 : i32
        %get3A_460 = arith.index_cast %add3A_459 : i32 to index
        %get3A_461 = arith.constant 48 : index
        %get3A_462 = tpu.vector_load %arg9[%get3A_460, %get3A_461] {strides = array<i32>} : memref<128x64xf32, #tpu.memory_space<vmem>>, vector<1x16xf32>,
        %get3A_463 = vector.shape_cast %get3A_462 : vector<1x16xf32> to vector<16xf32>
        %add3A_464 = arith.addf %get3A_457, %get3A_463 : vector<16xf32>
        %add3A_465 = arith.addf %scan3A_414, %add3A_464 : vector<16xf32>
        scf.yield %add3A_429, %add3A_441, %add3A_453, %add3A_465 : vector<16xf32>, vector<16xf32>, vector<16xf32>, vector<16xf32>
      }
      %scan3A_285 = arith.constant 25 : i32
      %mul3A_286 = arith.constant 2 : i32
      %mul3A_287 = arith.muli %add3A_227, %mul3A_286 : i32
      %add3A_288 = arith.constant 1 : i32
      %add3A_289 = arith.addi %mul3A_287, %add3A_288 : i32
      %swap3A_290 = arith.index_cast %add3A_289 : i32 to index
      %swap3A_291 = arith.constant 0 : index
      %swap3A_292 = tpu.vector_load %arg11[%swap3A_290, %swap3A_291] {strides = array<i32>} : memref<512x64xf32, #tpu.memory_space<vmem>>, vector<1x16xf32>,
      %swap3A_293 = vector.shape_cast %swap3A_292 : vector<1x16xf32> to vector<16xf32>
      %swap3A_294 = vector.shape_cast %scan3A_284#0 : vector<16xf32> to vector<1x16xf32>
      tpu.vector_store %arg11[%swap3A_290, %swap3A_291], %swap3A_294 {strides = array<i32>} : memref<512x64xf32, #tpu.memory_space<vmem>>, vector<1x16xf32>,
      %swap3A_295 = arith.index_cast %add3A_289 : i32 to index
      %swap3A_296 = arith.constant 16 : index
      %swap3A_297 = tpu.vector_load %arg11[%swap3A_295, %swap3A_296] {strides = array<i32>} : memref<512x64xf32, #tpu.memory_space<vmem>>, vector<1x16xf32>,
      %swap3A_298 = vector.shape_cast %swap3A_297 : vector<1x16xf32> to vector<16xf32>
      %swap3A_299 = vector.shape_cast %scan3A_284#1 : vector<16xf32> to vector<1x16xf32>
      tpu.vector_store %arg11[%swap3A_295, %swap3A_296], %swap3A_299 {strides = array<i32>} : memref<512x64xf32, #tpu.memory_space<vmem>>, vector<1x16xf32>,
      %swap3A_300 = arith.index_cast %add3A_289 : i32 to index
      %swap3A_301 = arith.constant 32 : index
      %swap3A_302 = tpu.vector_load %arg11[%swap3A_300, %swap3A_301] {strides = array<i32>} : memref<512x64xf32, #tpu.memory_space<vmem>>, vector<1x16xf32>,
      %swap3A_303 = vector.shape_cast %swap3A_302 : vector<1x16xf32> to vector<16xf32>
      %swap3A_304 = vector.shape_cast %scan3A_284#2 : vector<16xf32> to vector<1x16xf32>
      tpu.vector_store %arg11[%swap3A_300, %swap3A_301], %swap3A_304 {strides = array<i32>} : memref<512x64xf32, #tpu.memory_space<vmem>>, vector<1x16xf32>,
      %swap3A_305 = arith.index_cast %add3A_289 : i32 to index
      %swap3A_306 = arith.constant 48 : index
      %swap3A_307 = tpu.vector_load %arg11[%swap3A_305, %swap3A_306] {strides = array<i32>} : memref<512x64xf32, #tpu.memory_space<vmem>>, vector<1x16xf32>,
      %swap3A_308 = vector.shape_cast %swap3A_307 : vector<1x16xf32> to vector<16xf32>
      %swap3A_309 = vector.shape_cast %scan3A_284#3 : vector<16xf32> to vector<1x16xf32>
      tpu.vector_store %arg11[%swap3A_305, %swap3A_306], %swap3A_309 {strides = array<i32>} : memref<512x64xf32, #tpu.memory_space<vmem>>, vector<1x16xf32>,
      %add3A_310 = arith.constant 4 : i32
      %add3A_311 = arith.addi %add3A_227, %add3A_310 : i32
      %lt3A_312 = arith.constant 256 : i32
      %lt3A_313 = arith.cmpi slt, %add3A_311, %lt3A_312 : i32
      %convert_element_type3A_314 = arith.extui %lt3A_313 : i1 to i32
      %cond3A_315 = arith.constant 0 : i32
      %cond3A_316 = arith.cmpi ne, %convert_element_type3A_314, %cond3A_315 : i32
      scf.if %cond3A_316 {
        %add3A_410 = arith.constant 4 : i32
        %add3A_411 = arith.addi %add3A_227, %add3A_410 : i32
        %dma_start3A_412 = arith.constant 0 : i32
        %dma_start3A_413 = tpu.memref_slice %arg6[%add3A_411, %dma_start3A_412] : memref<256x128xi32, #tpu.memory_space<vmem>> -> memref<1x128xi32, #tpu.memory_space<vmem>>
        %dma_start3A_414 = tpu.memref_squeeze %dma_start3A_413 : memref<1x128xi32, #tpu.memory_space<vmem>> -> memref<128xi32, #tpu.memory_space<vmem>>
        %dma_start3A_415 = arith.constant 0 : i32
        %dma_start3A_416 = arith.constant 0 : i32
        %dma_start3A_417 = tpu.memref_slice %arg3[%dma_start3A_415, %dma_start3A_416] : memref<2000000x64xf32, #tpu.memory_space<hbm>> -> memref<2000000x64xf32, #tpu.memory_space<hbm>>
        tpu.enqueue_indirect_dma source(%dma_start3A_417 : memref<2000000x64xf32, #tpu.memory_space<hbm>>) target(%arg9 : memref<128x64xf32, #tpu.memory_space<vmem>>) offsets(%dma_start3A_414 : memref<128xi32, #tpu.memory_space<vmem>>) semaphore(%arg14 : memref<!tpu.dma_semaphore, #tpu.memory_space<semaphore_mem>>)
      } else {
      }
      %mul3A_317 = arith.constant 4 : i32
      %mul3A_318 = arith.muli %mul3A_317, %scan3A_43 : i32
      %add3A_319 = arith.constant 3 : i32
      %add3A_320 = arith.addi %mul3A_318, %add3A_319 : i32
      %dma_wait3A_321 = arith.constant 0 : i32
      %dma_wait3A_322 = tpu.memref_slice %arg6[%add3A_320, %dma_wait3A_321] : memref<256x128xi32, #tpu.memory_space<vmem>> -> memref<1x128xi32, #tpu.memory_space<vmem>>
      %dma_wait3A_323 = tpu.memref_squeeze %dma_wait3A_322 : memref<1x128xi32, #tpu.memory_space<vmem>> -> memref<128xi32, #tpu.memory_space<vmem>>
      %dma_wait3A_324 = arith.constant 0 : i32
      %dma_wait3A_325 = arith.constant 0 : i32
      %dma_wait3A_326 = tpu.memref_slice %arg3[%dma_wait3A_324, %dma_wait3A_325] : memref<2000000x64xf32, #tpu.memory_space<hbm>> -> memref<2000000x64xf32, #tpu.memory_space<hbm>>
      tpu.wait_indirect_dma semaphore(%arg15 : memref<!tpu.dma_semaphore, #tpu.memory_space<semaphore_mem>>) src(%dma_wait3A_326 : memref<2000000x64xf32, #tpu.memory_space<hbm>>) dst(%arg10 : memref<128x64xf32, #tpu.memory_space<vmem>>)
      %broadcast_in_dim3A_327 = arith.constant 0.000000e+00 : f32
      %broadcast_in_dim3A_328 = vector.broadcast %broadcast_in_dim3A_327 : f32 to vector<16xf32>
      %broadcast_in_dim3A_329 = arith.constant 0.000000e+00 : f32
      %broadcast_in_dim3A_330 = vector.broadcast %broadcast_in_dim3A_329 : f32 to vector<16xf32>
      %broadcast_in_dim3A_331 = arith.constant 0.000000e+00 : f32
      %broadcast_in_dim3A_332 = vector.broadcast %broadcast_in_dim3A_331 : f32 to vector<16xf32>
      %broadcast_in_dim3A_333 = arith.constant 0.000000e+00 : f32
      %broadcast_in_dim3A_334 = vector.broadcast %broadcast_in_dim3A_333 : f32 to vector<16xf32>
      %scan3A_335 = arith.constant 0 : i32
      %scan3A_336 = arith.constant 25 : i32
      %scan3A_337 = arith.addi %scan3A_335, %scan3A_336 : i32
      %scan3A_338 = arith.constant 1 : i32
      %scan3A_339:4 = scf.for %scan3A_410 = %scan3A_335 to %scan3A_337 step %scan3A_338 iter_args(%scan3A_411 = %broadcast_in_dim3A_328, %scan3A_412 = %broadcast_in_dim3A_330, %scan3A_413 = %broadcast_in_dim3A_332, %scan3A_414 = %broadcast_in_dim3A_334) -> (vector<16xf32>, vector<16xf32>, vector<16xf32>, vector<16xf32>)  : i32 {
        %mul3A_415 = arith.constant 2 : i32
        %mul3A_416 = arith.muli %mul3A_415, %scan3A_410 : i32
        %add3A_417 = arith.constant 0 : i32
        %add3A_418 = arith.addi %add3A_417, %mul3A_416 : i32
        %get3A = arith.index_cast %add3A_418 : i32 to index
        %get3A_419 = arith.constant 0 : index
        %get3A_420 = tpu.vector_load %arg10[%get3A, %get3A_419] {strides = array<i32>} : memref<128x64xf32, #tpu.memory_space<vmem>>, vector<1x16xf32>,
        %get3A_421 = vector.shape_cast %get3A_420 : vector<1x16xf32> to vector<16xf32>
        %add3A_422 = arith.constant 1 : i32
        %add3A_423 = arith.addi %add3A_418, %add3A_422 : i32
        %get3A_424 = arith.index_cast %add3A_423 : i32 to index
        %get3A_425 = arith.constant 0 : index
        %get3A_426 = tpu.vector_load %arg10[%get3A_424, %get3A_425] {strides = array<i32>} : memref<128x64xf32, #tpu.memory_space<vmem>>, vector<1x16xf32>,
        %get3A_427 = vector.shape_cast %get3A_426 : vector<1x16xf32> to vector<16xf32>
        %add3A_428 = arith.addf %get3A_421, %get3A_427 : vector<16xf32>
        %add3A_429 = arith.addf %scan3A_411, %add3A_428 : vector<16xf32>
        %get3A_430 = arith.index_cast %add3A_418 : i32 to index
        %get3A_431 = arith.constant 16 : index
        %get3A_432 = tpu.vector_load %arg10[%get3A_430, %get3A_431] {strides = array<i32>} : memref<128x64xf32, #tpu.memory_space<vmem>>, vector<1x16xf32>,
        %get3A_433 = vector.shape_cast %get3A_432 : vector<1x16xf32> to vector<16xf32>
        %add3A_434 = arith.constant 1 : i32
        %add3A_435 = arith.addi %add3A_418, %add3A_434 : i32
        %get3A_436 = arith.index_cast %add3A_435 : i32 to index
        %get3A_437 = arith.constant 16 : index
        %get3A_438 = tpu.vector_load %arg10[%get3A_436, %get3A_437] {strides = array<i32>} : memref<128x64xf32, #tpu.memory_space<vmem>>, vector<1x16xf32>,
        %get3A_439 = vector.shape_cast %get3A_438 : vector<1x16xf32> to vector<16xf32>
        %add3A_440 = arith.addf %get3A_433, %get3A_439 : vector<16xf32>
        %add3A_441 = arith.addf %scan3A_412, %add3A_440 : vector<16xf32>
        %get3A_442 = arith.index_cast %add3A_418 : i32 to index
        %get3A_443 = arith.constant 32 : index
        %get3A_444 = tpu.vector_load %arg10[%get3A_442, %get3A_443] {strides = array<i32>} : memref<128x64xf32, #tpu.memory_space<vmem>>, vector<1x16xf32>,
        %get3A_445 = vector.shape_cast %get3A_444 : vector<1x16xf32> to vector<16xf32>
        %add3A_446 = arith.constant 1 : i32
        %add3A_447 = arith.addi %add3A_418, %add3A_446 : i32
        %get3A_448 = arith.index_cast %add3A_447 : i32 to index
        %get3A_449 = arith.constant 32 : index
        %get3A_450 = tpu.vector_load %arg10[%get3A_448, %get3A_449] {strides = array<i32>} : memref<128x64xf32, #tpu.memory_space<vmem>>, vector<1x16xf32>,
        %get3A_451 = vector.shape_cast %get3A_450 : vector<1x16xf32> to vector<16xf32>
        %add3A_452 = arith.addf %get3A_445, %get3A_451 : vector<16xf32>
        %add3A_453 = arith.addf %scan3A_413, %add3A_452 : vector<16xf32>
        %get3A_454 = arith.index_cast %add3A_418 : i32 to index
        %get3A_455 = arith.constant 48 : index
        %get3A_456 = tpu.vector_load %arg10[%get3A_454, %get3A_455] {strides = array<i32>} : memref<128x64xf32, #tpu.memory_space<vmem>>, vector<1x16xf32>,
        %get3A_457 = vector.shape_cast %get3A_456 : vector<1x16xf32> to vector<16xf32>
        %add3A_458 = arith.constant 1 : i32
        %add3A_459 = arith.addi %add3A_418, %add3A_458 : i32
        %get3A_460 = arith.index_cast %add3A_459 : i32 to index
        %get3A_461 = arith.constant 48 : index
        %get3A_462 = tpu.vector_load %arg10[%get3A_460, %get3A_461] {strides = array<i32>} : memref<128x64xf32, #tpu.memory_space<vmem>>, vector<1x16xf32>,
        %get3A_463 = vector.shape_cast %get3A_462 : vector<1x16xf32> to vector<16xf32>
        %add3A_464 = arith.addf %get3A_457, %get3A_463 : vector<16xf32>
        %add3A_465 = arith.addf %scan3A_414, %add3A_464 : vector<16xf32>
        scf.yield %add3A_429, %add3A_441, %add3A_453, %add3A_465 : vector<16xf32>, vector<16xf32>, vector<16xf32>, vector<16xf32>
      }
      %scan3A_340 = arith.constant 25 : i32
      %mul3A_341 = arith.constant 2 : i32
      %mul3A_342 = arith.muli %add3A_320, %mul3A_341 : i32
      %add3A_343 = arith.constant 0 : i32
      %add3A_344 = arith.addi %mul3A_342, %add3A_343 : i32
      %swap3A_345 = arith.index_cast %add3A_344 : i32 to index
      %swap3A_346 = arith.constant 0 : index
      %swap3A_347 = tpu.vector_load %arg11[%swap3A_345, %swap3A_346] {strides = array<i32>} : memref<512x64xf32, #tpu.memory_space<vmem>>, vector<1x16xf32>,
      %swap3A_348 = vector.shape_cast %swap3A_347 : vector<1x16xf32> to vector<16xf32>
      %swap3A_349 = vector.shape_cast %scan3A_339#0 : vector<16xf32> to vector<1x16xf32>
      tpu.vector_store %arg11[%swap3A_345, %swap3A_346], %swap3A_349 {strides = array<i32>} : memref<512x64xf32, #tpu.memory_space<vmem>>, vector<1x16xf32>,
      %swap3A_350 = arith.index_cast %add3A_344 : i32 to index
      %swap3A_351 = arith.constant 16 : index
      %swap3A_352 = tpu.vector_load %arg11[%swap3A_350, %swap3A_351] {strides = array<i32>} : memref<512x64xf32, #tpu.memory_space<vmem>>, vector<1x16xf32>,
      %swap3A_353 = vector.shape_cast %swap3A_352 : vector<1x16xf32> to vector<16xf32>
      %swap3A_354 = vector.shape_cast %scan3A_339#1 : vector<16xf32> to vector<1x16xf32>
      tpu.vector_store %arg11[%swap3A_350, %swap3A_351], %swap3A_354 {strides = array<i32>} : memref<512x64xf32, #tpu.memory_space<vmem>>, vector<1x16xf32>,
      %swap3A_355 = arith.index_cast %add3A_344 : i32 to index
      %swap3A_356 = arith.constant 32 : index
      %swap3A_357 = tpu.vector_load %arg11[%swap3A_355, %swap3A_356] {strides = array<i32>} : memref<512x64xf32, #tpu.memory_space<vmem>>, vector<1x16xf32>,
      %swap3A_358 = vector.shape_cast %swap3A_357 : vector<1x16xf32> to vector<16xf32>
      %swap3A_359 = vector.shape_cast %scan3A_339#2 : vector<16xf32> to vector<1x16xf32>
      tpu.vector_store %arg11[%swap3A_355, %swap3A_356], %swap3A_359 {strides = array<i32>} : memref<512x64xf32, #tpu.memory_space<vmem>>, vector<1x16xf32>,
      %swap3A_360 = arith.index_cast %add3A_344 : i32 to index
      %swap3A_361 = arith.constant 48 : index
      %swap3A_362 = tpu.vector_load %arg11[%swap3A_360, %swap3A_361] {strides = array<i32>} : memref<512x64xf32, #tpu.memory_space<vmem>>, vector<1x16xf32>,
      %swap3A_363 = vector.shape_cast %swap3A_362 : vector<1x16xf32> to vector<16xf32>
      %swap3A_364 = vector.shape_cast %scan3A_339#3 : vector<16xf32> to vector<1x16xf32>
      tpu.vector_store %arg11[%swap3A_360, %swap3A_361], %swap3A_364 {strides = array<i32>} : memref<512x64xf32, #tpu.memory_space<vmem>>, vector<1x16xf32>,
      %broadcast_in_dim3A_365 = arith.constant 0.000000e+00 : f32
      %broadcast_in_dim3A_366 = vector.broadcast %broadcast_in_dim3A_365 : f32 to vector<16xf32>
      %broadcast_in_dim3A_367 = arith.constant 0.000000e+00 : f32
      %broadcast_in_dim3A_368 = vector.broadcast %broadcast_in_dim3A_367 : f32 to vector<16xf32>
      %broadcast_in_dim3A_369 = arith.constant 0.000000e+00 : f32
      %broadcast_in_dim3A_370 = vector.broadcast %broadcast_in_dim3A_369 : f32 to vector<16xf32>
      %broadcast_in_dim3A_371 = arith.constant 0.000000e+00 : f32
      %broadcast_in_dim3A_372 = vector.broadcast %broadcast_in_dim3A_371 : f32 to vector<16xf32>
      %scan3A_373 = arith.constant 0 : i32
      %scan3A_374 = arith.constant 25 : i32
      %scan3A_375 = arith.addi %scan3A_373, %scan3A_374 : i32
      %scan3A_376 = arith.constant 1 : i32
      %scan3A_377:4 = scf.for %scan3A_410 = %scan3A_373 to %scan3A_375 step %scan3A_376 iter_args(%scan3A_411 = %broadcast_in_dim3A_366, %scan3A_412 = %broadcast_in_dim3A_368, %scan3A_413 = %broadcast_in_dim3A_370, %scan3A_414 = %broadcast_in_dim3A_372) -> (vector<16xf32>, vector<16xf32>, vector<16xf32>, vector<16xf32>)  : i32 {
        %mul3A_415 = arith.constant 2 : i32
        %mul3A_416 = arith.muli %mul3A_415, %scan3A_410 : i32
        %add3A_417 = arith.constant 64 : i32
        %add3A_418 = arith.addi %add3A_417, %mul3A_416 : i32
        %get3A = arith.index_cast %add3A_418 : i32 to index
        %get3A_419 = arith.constant 0 : index
        %get3A_420 = tpu.vector_load %arg10[%get3A, %get3A_419] {strides = array<i32>} : memref<128x64xf32, #tpu.memory_space<vmem>>, vector<1x16xf32>,
        %get3A_421 = vector.shape_cast %get3A_420 : vector<1x16xf32> to vector<16xf32>
        %add3A_422 = arith.constant 1 : i32
        %add3A_423 = arith.addi %add3A_418, %add3A_422 : i32
        %get3A_424 = arith.index_cast %add3A_423 : i32 to index
        %get3A_425 = arith.constant 0 : index
        %get3A_426 = tpu.vector_load %arg10[%get3A_424, %get3A_425] {strides = array<i32>} : memref<128x64xf32, #tpu.memory_space<vmem>>, vector<1x16xf32>,
        %get3A_427 = vector.shape_cast %get3A_426 : vector<1x16xf32> to vector<16xf32>
        %add3A_428 = arith.addf %get3A_421, %get3A_427 : vector<16xf32>
        %add3A_429 = arith.addf %scan3A_411, %add3A_428 : vector<16xf32>
        %get3A_430 = arith.index_cast %add3A_418 : i32 to index
        %get3A_431 = arith.constant 16 : index
        %get3A_432 = tpu.vector_load %arg10[%get3A_430, %get3A_431] {strides = array<i32>} : memref<128x64xf32, #tpu.memory_space<vmem>>, vector<1x16xf32>,
        %get3A_433 = vector.shape_cast %get3A_432 : vector<1x16xf32> to vector<16xf32>
        %add3A_434 = arith.constant 1 : i32
        %add3A_435 = arith.addi %add3A_418, %add3A_434 : i32
        %get3A_436 = arith.index_cast %add3A_435 : i32 to index
        %get3A_437 = arith.constant 16 : index
        %get3A_438 = tpu.vector_load %arg10[%get3A_436, %get3A_437] {strides = array<i32>} : memref<128x64xf32, #tpu.memory_space<vmem>>, vector<1x16xf32>,
        %get3A_439 = vector.shape_cast %get3A_438 : vector<1x16xf32> to vector<16xf32>
        %add3A_440 = arith.addf %get3A_433, %get3A_439 : vector<16xf32>
        %add3A_441 = arith.addf %scan3A_412, %add3A_440 : vector<16xf32>
        %get3A_442 = arith.index_cast %add3A_418 : i32 to index
        %get3A_443 = arith.constant 32 : index
        %get3A_444 = tpu.vector_load %arg10[%get3A_442, %get3A_443] {strides = array<i32>} : memref<128x64xf32, #tpu.memory_space<vmem>>, vector<1x16xf32>,
        %get3A_445 = vector.shape_cast %get3A_444 : vector<1x16xf32> to vector<16xf32>
        %add3A_446 = arith.constant 1 : i32
        %add3A_447 = arith.addi %add3A_418, %add3A_446 : i32
        %get3A_448 = arith.index_cast %add3A_447 : i32 to index
        %get3A_449 = arith.constant 32 : index
        %get3A_450 = tpu.vector_load %arg10[%get3A_448, %get3A_449] {strides = array<i32>} : memref<128x64xf32, #tpu.memory_space<vmem>>, vector<1x16xf32>,
        %get3A_451 = vector.shape_cast %get3A_450 : vector<1x16xf32> to vector<16xf32>
        %add3A_452 = arith.addf %get3A_445, %get3A_451 : vector<16xf32>
        %add3A_453 = arith.addf %scan3A_413, %add3A_452 : vector<16xf32>
        %get3A_454 = arith.index_cast %add3A_418 : i32 to index
        %get3A_455 = arith.constant 48 : index
        %get3A_456 = tpu.vector_load %arg10[%get3A_454, %get3A_455] {strides = array<i32>} : memref<128x64xf32, #tpu.memory_space<vmem>>, vector<1x16xf32>,
        %get3A_457 = vector.shape_cast %get3A_456 : vector<1x16xf32> to vector<16xf32>
        %add3A_458 = arith.constant 1 : i32
        %add3A_459 = arith.addi %add3A_418, %add3A_458 : i32
        %get3A_460 = arith.index_cast %add3A_459 : i32 to index
        %get3A_461 = arith.constant 48 : index
        %get3A_462 = tpu.vector_load %arg10[%get3A_460, %get3A_461] {strides = array<i32>} : memref<128x64xf32, #tpu.memory_space<vmem>>, vector<1x16xf32>,
        %get3A_463 = vector.shape_cast %get3A_462 : vector<1x16xf32> to vector<16xf32>
        %add3A_464 = arith.addf %get3A_457, %get3A_463 : vector<16xf32>
        %add3A_465 = arith.addf %scan3A_414, %add3A_464 : vector<16xf32>
        scf.yield %add3A_429, %add3A_441, %add3A_453, %add3A_465 : vector<16xf32>, vector<16xf32>, vector<16xf32>, vector<16xf32>
      }
      %scan3A_378 = arith.constant 25 : i32
      %mul3A_379 = arith.constant 2 : i32
      %mul3A_380 = arith.muli %add3A_320, %mul3A_379 : i32
      %add3A_381 = arith.constant 1 : i32
      %add3A_382 = arith.addi %mul3A_380, %add3A_381 : i32
      %swap3A_383 = arith.index_cast %add3A_382 : i32 to index
      %swap3A_384 = arith.constant 0 : index
      %swap3A_385 = tpu.vector_load %arg11[%swap3A_383, %swap3A_384] {strides = array<i32>} : memref<512x64xf32, #tpu.memory_space<vmem>>, vector<1x16xf32>,
      %swap3A_386 = vector.shape_cast %swap3A_385 : vector<1x16xf32> to vector<16xf32>
      %swap3A_387 = vector.shape_cast %scan3A_377#0 : vector<16xf32> to vector<1x16xf32>
      tpu.vector_store %arg11[%swap3A_383, %swap3A_384], %swap3A_387 {strides = array<i32>} : memref<512x64xf32, #tpu.memory_space<vmem>>, vector<1x16xf32>,
      %swap3A_388 = arith.index_cast %add3A_382 : i32 to index
      %swap3A_389 = arith.constant 16 : index
      %swap3A_390 = tpu.vector_load %arg11[%swap3A_388, %swap3A_389] {strides = array<i32>} : memref<512x64xf32, #tpu.memory_space<vmem>>, vector<1x16xf32>,
      %swap3A_391 = vector.shape_cast %swap3A_390 : vector<1x16xf32> to vector<16xf32>
      %swap3A_392 = vector.shape_cast %scan3A_377#1 : vector<16xf32> to vector<1x16xf32>
      tpu.vector_store %arg11[%swap3A_388, %swap3A_389], %swap3A_392 {strides = array<i32>} : memref<512x64xf32, #tpu.memory_space<vmem>>, vector<1x16xf32>,
      %swap3A_393 = arith.index_cast %add3A_382 : i32 to index
      %swap3A_394 = arith.constant 32 : index
      %swap3A_395 = tpu.vector_load %arg11[%swap3A_393, %swap3A_394] {strides = array<i32>} : memref<512x64xf32, #tpu.memory_space<vmem>>, vector<1x16xf32>,
      %swap3A_396 = vector.shape_cast %swap3A_395 : vector<1x16xf32> to vector<16xf32>
      %swap3A_397 = vector.shape_cast %scan3A_377#2 : vector<16xf32> to vector<1x16xf32>
      tpu.vector_store %arg11[%swap3A_393, %swap3A_394], %swap3A_397 {strides = array<i32>} : memref<512x64xf32, #tpu.memory_space<vmem>>, vector<1x16xf32>,
      %swap3A_398 = arith.index_cast %add3A_382 : i32 to index
      %swap3A_399 = arith.constant 48 : index
      %swap3A_400 = tpu.vector_load %arg11[%swap3A_398, %swap3A_399] {strides = array<i32>} : memref<512x64xf32, #tpu.memory_space<vmem>>, vector<1x16xf32>,
      %swap3A_401 = vector.shape_cast %swap3A_400 : vector<1x16xf32> to vector<16xf32>
      %swap3A_402 = vector.shape_cast %scan3A_377#3 : vector<16xf32> to vector<1x16xf32>
      tpu.vector_store %arg11[%swap3A_398, %swap3A_399], %swap3A_402 {strides = array<i32>} : memref<512x64xf32, #tpu.memory_space<vmem>>, vector<1x16xf32>,
      %add3A_403 = arith.constant 4 : i32
      %add3A_404 = arith.addi %add3A_320, %add3A_403 : i32
      %lt3A_405 = arith.constant 256 : i32
      %lt3A_406 = arith.cmpi slt, %add3A_404, %lt3A_405 : i32
      %convert_element_type3A_407 = arith.extui %lt3A_406 : i1 to i32
      %cond3A_408 = arith.constant 0 : i32
      %cond3A_409 = arith.cmpi ne, %convert_element_type3A_407, %cond3A_408 : i32
      scf.if %cond3A_409 {
        %add3A_410 = arith.constant 4 : i32
        %add3A_411 = arith.addi %add3A_320, %add3A_410 : i32
        %dma_start3A_412 = arith.constant 0 : i32
        %dma_start3A_413 = tpu.memref_slice %arg6[%add3A_411, %dma_start3A_412] : memref<256x128xi32, #tpu.memory_space<vmem>> -> memref<1x128xi32, #tpu.memory_space<vmem>>
        %dma_start3A_414 = tpu.memref_squeeze %dma_start3A_413 : memref<1x128xi32, #tpu.memory_space<vmem>> -> memref<128xi32, #tpu.memory_space<vmem>>
        %dma_start3A_415 = arith.constant 0 : i32
        %dma_start3A_416 = arith.constant 0 : i32
        %dma_start3A_417 = tpu.memref_slice %arg3[%dma_start3A_415, %dma_start3A_416] : memref<2000000x64xf32, #tpu.memory_space<hbm>> -> memref<2000000x64xf32, #tpu.memory_space<hbm>>
        tpu.enqueue_indirect_dma source(%dma_start3A_417 : memref<2000000x64xf32, #tpu.memory_space<hbm>>) target(%arg10 : memref<128x64xf32, #tpu.memory_space<vmem>>) offsets(%dma_start3A_414 : memref<128xi32, #tpu.memory_space<vmem>>) semaphore(%arg15 : memref<!tpu.dma_semaphore, #tpu.memory_space<semaphore_mem>>)
      } else {
      }
    }
    %scan3A_40 = arith.constant 64 : i32
    %mul3A_41 = arith.constant 512 : i32
    %mul3A_42 = arith.muli %add3A, %mul3A_41 : i32
    "tpu.region"() ({
      %run_scoped3A = tpu.sem_alloc : memref<!tpu.dma_semaphore, #tpu.memory_space<semaphore_mem>>
      %dma_start3A_43 = arith.constant 0 : i32
      %dma_start3A_44 = tpu.memref_slice %arg4[%mul3A_42, %dma_start3A_43] : memref<16384x64xf32, #tpu.memory_space<hbm>> -> memref<512x64xf32, #tpu.memory_space<hbm>>
      %dma_start3A_45 = arith.constant 0 : i32
      %dma_start3A_46 = tpu.memref_slice %arg4[%mul3A_42, %dma_start3A_45] : memref<16384x64xf32, #tpu.memory_space<hbm>> -> memref<512x64xf32, #tpu.memory_space<hbm>>
      tpu.enqueue_dma source(%arg11 : memref<512x64xf32, #tpu.memory_space<vmem>>) target(%dma_start3A_46 : memref<512x64xf32, #tpu.memory_space<hbm>>) target_semaphore(%run_scoped3A : memref<!tpu.dma_semaphore, #tpu.memory_space<semaphore_mem>>)
      %dma_wait3A = arith.constant 0 : i32
      %dma_wait3A_47 = tpu.memref_slice %arg4[%mul3A_42, %dma_wait3A] : memref<16384x64xf32, #tpu.memory_space<hbm>> -> memref<512x64xf32, #tpu.memory_space<hbm>>
      %dma_wait3A_48 = arith.constant 0 : i32
      %dma_wait3A_49 = tpu.memref_slice %arg4[%mul3A_42, %dma_wait3A_48] : memref<16384x64xf32, #tpu.memory_space<hbm>> -> memref<512x64xf32, #tpu.memory_space<hbm>>
      tpu.wait_dma2 semaphore(%run_scoped3A : memref<!tpu.dma_semaphore, #tpu.memory_space<semaphore_mem>>) src(%arg11 : memref<512x64xf32, #tpu.memory_space<vmem>>) dst(%dma_wait3A_49 : memref<512x64xf32, #tpu.memory_space<hbm>>)
      tpu.yield
    }) : () -> ()
    return
  }
}

module attributes {stable_mosaic.version = 14 : i64} {
  func.func @_head_body(%arg0: i32, %arg1: memref<1024x64xf32, #tpu.memory_space<vmem>>, %arg2: memref<256x64xf32, #tpu.memory_space<vmem>>, %arg3: memref<1x256xf32, #tpu.memory_space<vmem>>, %arg4: memref<1x256xf32, #tpu.memory_space<vmem>>, %arg5: memref<1x256xf32, #tpu.memory_space<vmem>>, %arg6: memref<1024x256xf32, #tpu.memory_space<vmem>>) attributes {dimension_semantics = [#tpu.dimension_semantics<arbitrary>], iteration_bounds = array<i64: 16>, scalar_prefetch = 0 : i64, scratch_operands = 0 : i64, tpu.core_type = #tpu.core_type<tc>, window_params = [{transform_indices = @transform_0, window_bounds = array<i64: 1024, 64>}, {pipeline_mode = #tpu.pipeline_mode<synchronous>, transform_indices = @transform_1, window_bounds = array<i64: 256, 64>}, {pipeline_mode = #tpu.pipeline_mode<synchronous>, transform_indices = @transform_2, window_bounds = array<i64: 1, 256>}, {pipeline_mode = #tpu.pipeline_mode<synchronous>, transform_indices = @transform_3, window_bounds = array<i64: 1, 256>}, {pipeline_mode = #tpu.pipeline_mode<synchronous>, transform_indices = @transform_4, window_bounds = array<i64: 1, 256>}, {transform_indices = @transform_5, window_bounds = array<i64: 1024, 256>}]} {
    %get3A = arith.constant 0 : index
    %get3A_0 = arith.constant 0 : index
    %get3A_1 = vector.load %arg1[%get3A, %get3A_0] : memref<1024x64xf32, #tpu.memory_space<vmem>>, vector<1024x64xf32>
    %mul3A = arith.constant 2.000000e-02 : f32
    %mul3A_2 = vector.broadcast %mul3A : f32 to vector<1024x64xf32>
    %mul3A_3 = arith.mulf %get3A_1, %mul3A_2 : vector<1024x64xf32>
    %get3A_4 = arith.constant 0 : index
    %get3A_5 = arith.constant 0 : index
    %get3A_6 = vector.load %arg2[%get3A_4, %get3A_5] : memref<256x64xf32, #tpu.memory_space<vmem>>, vector<256x64xf32>
    %dot_general3A = arith.constant dense<0.000000e+00> : vector<1024x256xf32>
    %dot_general3A_7 = tpu.matmul %mul3A_3, %get3A_6, %dot_general3A {dimension_numbers = #tpu.dot_dimension_numbers<[1], [1], [0], [0], [0, 0, 1, 0], [], []>, precision = #tpu.contract_precision<fp32>, transpose_lhs_hint = false} : vector<1024x64xf32>, vector<256x64xf32>, vector<1024x256xf32> -> vector<1024x256xf32>
    %get3A_8 = arith.constant 0 : index
    %get3A_9 = arith.constant 0 : index
    %get3A_10 = vector.load %arg3[%get3A_8, %get3A_9] : memref<1x256xf32, #tpu.memory_space<vmem>>, vector<1x256xf32>
    %add3A = vector.broadcast %get3A_10 : vector<1x256xf32> to vector<1024x256xf32>
    %add3A_11 = arith.addf %dot_general3A_7, %add3A : vector<1024x256xf32>
    %reduce_sum3A = arith.constant dense<0.000000e+00> : vector<1024xf32>
    %reduce_sum3A_12 = vector.multi_reduction <add>, %add3A_11, %reduce_sum3A [1] : vector<1024x256xf32> to vector<1024xf32>
    %broadcast_in_dim3A = vector.shape_cast %reduce_sum3A_12 : vector<1024xf32> to vector<1024x1xf32>
    %div3A = arith.constant 2.560000e+02 : f32
    %div3A_13 = vector.broadcast %div3A : f32 to vector<1024x1xf32>
    %div3A_14 = arith.divf %broadcast_in_dim3A, %div3A_13 : vector<1024x1xf32>
    %sub3A = vector.broadcast %div3A_14 : vector<1024x1xf32> to vector<1024x256xf32>
    %sub3A_15 = arith.subf %add3A_11, %sub3A : vector<1024x256xf32>
    %mul3A_16 = arith.mulf %sub3A_15, %sub3A_15 : vector<1024x256xf32>
    %reduce_sum3A_17 = arith.constant dense<0.000000e+00> : vector<1024xf32>
    %reduce_sum3A_18 = vector.multi_reduction <add>, %mul3A_16, %reduce_sum3A_17 [1] : vector<1024x256xf32> to vector<1024xf32>
    %broadcast_in_dim3A_19 = vector.shape_cast %reduce_sum3A_18 : vector<1024xf32> to vector<1024x1xf32>
    %div3A_20 = arith.constant 2.560000e+02 : f32
    %div3A_21 = vector.broadcast %div3A_20 : f32 to vector<1024x1xf32>
    %div3A_22 = arith.divf %broadcast_in_dim3A_19, %div3A_21 : vector<1024x1xf32>
    %add3A_23 = arith.constant 9.99999974E-6 : f32
    %add3A_24 = vector.broadcast %add3A_23 : f32 to vector<1024x1xf32>
    %add3A_25 = arith.addf %div3A_22, %add3A_24 : vector<1024x1xf32>
    %rsqrt3A = math.rsqrt %add3A_25 : vector<1024x1xf32>
    %mul3A_26 = vector.broadcast %rsqrt3A : vector<1024x1xf32> to vector<1024x256xf32>
    %mul3A_27 = arith.mulf %sub3A_15, %mul3A_26 : vector<1024x256xf32>
    %get3A_28 = arith.constant 0 : index
    %get3A_29 = arith.constant 0 : index
    %get3A_30 = vector.load %arg4[%get3A_28, %get3A_29] : memref<1x256xf32, #tpu.memory_space<vmem>>, vector<1x256xf32>
    %mul3A_31 = vector.broadcast %get3A_30 : vector<1x256xf32> to vector<1024x256xf32>
    %mul3A_32 = arith.mulf %mul3A_27, %mul3A_31 : vector<1024x256xf32>
    %get3A_33 = arith.constant 0 : index
    %get3A_34 = arith.constant 0 : index
    %get3A_35 = vector.load %arg5[%get3A_33, %get3A_34] : memref<1x256xf32, #tpu.memory_space<vmem>>, vector<1x256xf32>
    %add3A_36 = vector.broadcast %get3A_35 : vector<1x256xf32> to vector<1024x256xf32>
    %add3A_37 = arith.addf %mul3A_32, %add3A_36 : vector<1024x256xf32>
    %swap3A = arith.constant 0 : index
    %swap3A_38 = arith.constant 0 : index
    %swap3A_39 = vector.load %arg6[%swap3A, %swap3A_38] : memref<1024x256xf32, #tpu.memory_space<vmem>>, vector<1024x256xf32>
    tpu.vector_store %arg6[%swap3A, %swap3A_38], %add3A_37 {strides = array<i32>} : memref<1024x256xf32, #tpu.memory_space<vmem>>, vector<1024x256xf32>,
    return
  }
  func.func @transform_0(%arg0: i32) -> (i32, i32) {
    %c0_i32 = arith.constant 0 : i32
    %c0_i32_0 = arith.constant 0 : i32
    return %arg0, %c0_i32 : i32, i32
  }
  func.func @transform_1(%arg0: i32) -> (i32, i32) {
    %c0_i32 = arith.constant 0 : i32
    %c0_i32_0 = arith.constant 0 : i32
    %c0_i32_1 = arith.constant 0 : i32
    return %c0_i32, %c0_i32_0 : i32, i32
  }
  func.func @transform_2(%arg0: i32) -> (i32, i32) {
    %c0_i32 = arith.constant 0 : i32
    %c0_i32_0 = arith.constant 0 : i32
    %c0_i32_1 = arith.constant 0 : i32
    return %c0_i32, %c0_i32_0 : i32, i32
  }
  func.func @transform_3(%arg0: i32) -> (i32, i32) {
    %c0_i32 = arith.constant 0 : i32
    %c0_i32_0 = arith.constant 0 : i32
    %c0_i32_1 = arith.constant 0 : i32
    return %c0_i32, %c0_i32_0 : i32, i32
  }
  func.func @transform_4(%arg0: i32) -> (i32, i32) {
    %c0_i32 = arith.constant 0 : i32
    %c0_i32_0 = arith.constant 0 : i32
    %c0_i32_1 = arith.constant 0 : i32
    return %c0_i32, %c0_i32_0 : i32, i32
  }
  func.func @transform_5(%arg0: i32) -> (i32, i32) {
    %c0_i32 = arith.constant 0 : i32
    %c0_i32_0 = arith.constant 0 : i32
    return %arg0, %c0_i32 : i32, i32
  }
}

</mosaic_0001>

<sc_bundles>
// kernel: kernel.4.cloned.1.call-start
scs
__scs_entry_jumppad:
0x0: {  	(pc) =	sbr.rel $0x88, $3  }
0x1: {  	(tag) =	ssettag $0x0;
	lr =	simm.s32 $0x1  }
0x2: {  	[smem:$0x3F9B] =	sst lr;
	_ =	strace $0xD0000000  }
0x3: {  	_ = 	snop  }
0x4: {  	_ = 	snop  }
0x5: {  	_ = 	snop  }
0x6: {  	_ = 	snop  }
0x7: {  	_ = 	snop  }
__scs_overlays_trampoline_lowered:
0x8: {  	[smem:$0x3FAA] =	sst s0  }
0x9: {  	[smem:$0x3FAB] =	sst s1  }
0xa: {  	[smem:$0x3FAC] =	sst s2  }
0xb: {  	[smem:$0x3FAD] =	sst s3  }
0xc: {  	[smem:$0x3FAE] =	sst s4  }
0xd: {  	[smem:$0x3FAF] =	sst s5  }
0xe: {  	[smem:$0x3FB0] =	sst s6  }
0xf: {  	[smem:$0x3FB1] =	sst s7  }
0x10: {  	[smem:$0x3FB2] =	sst s8  }
0x11: {  	[smem:$0x3FB3] =	sst s9;
	s0 =	simm.s32 @!p0 $0x0  }
0x12: {  	s1 =	sld [smem:$0x3F99];
	s0 =	simm.s32 @p0 $0x1  }
0x13: {  	[smem:$0x3FB4] =	sst s0;
	s0 =	simm.s32 @!p1 $0x0  }
0x14: {  	s2 =	sld [smem:$0x3F98];
	s0 =	simm.s32 @p1 $0x1  }
0x15: {  	[smem:$0x3FB5] =	sst s0;
	s0 =	simm.s32 @!p2 $0x0  }
0x16: {  	s3 =	sld [smem:$0x3FDB];
	s0 =	simm.s32 @p2 $0x1  }
0x17: {  	s4 =	simm.s32 $0x1BF5;
	[smem:$0x3FB7] =	sst s0  }
0x18: {  	s0 =	sld [smem:$0x3F9A];
	_ =	swait.ge [sflag:s4], $0x0  }
0x19: {  	s7 =	sld [smem:$0x3F9B]  }
0x1a: {  	s8 =	sadd.s32 $0xFFFFE003, lr  }
0x1b: {  	s9 =	sadd.s32 $0xFFFFFEF7, lr;
	s5 =	simm.s32 $0xFFFFFFFF;
	p2 =	slt.u32 s8, $0xFFFFF086  }
0x1c: {  	p1 =	slt.u32 s9, $0xF7A;
	s5 =	simm.s32 @!p2 $0x0  }
0x1d: {  	s5 =	simm.s32 @p1 $0x1;
	p0 =	seq.s32 s7, s2  }
0x1e: {  	s7 =	smul.u32 @!p0 $0xF7A, s2;
	p2 =	seq.s32 @!p0 s5, $0x0  }
0x1f: {  	s9 =	smul.u32 $0xF7A, s1;
	s8 =	simm.s32 @!p0 $0x1BF5;
	p2 =	por !p2, p0  }
0x20: {  	[sflag:s8] =	ssyncset.s32 @!p0 $0xFFFFF086;
	s6 =	sadd.s32 @!p0 s3, s7;
	s7 =	simm.s32 @!p0 $0x108  }
0x21: {  	s3 =	sadd.s32 s3, s9;
	s6 =	sadd.s32 @!p0 $0x88, s6;
	s7 =	simm.s32 @p2 $0x1082  }
0x22: {  	[simem:s7], [sflag:s8] =	dma.local @!p0 [hbm:s6], $0xF7A  }
0x23: {  	s9 =	sor.u32 $0xD0000000, s2;
	s6 =	simm.s32 $0x108;
	_ =	swait.ge @!p0 [sflag:s8], $0x0  }
0x24: {  	s3 =	sadd.s32 $0x88, s3;
	s6 =	simm.s32 @!p1 $0x1082;
	[sflag:s4] =	ssyncset.s32 $0xFFFFF086  }
0x25: {  	[simem:s6], [sflag:s4] =	dma.local [hbm:s3], $0xF7A  }
0x26: {  	[smem:$0x3F9B] =	sst s1;
	(tag) =	ssettag s2;
	_ =	strace s9  }
0x27: {  	s1 =	sld [smem:$0x3FAB]  }
0x28: {  	s2 =	sld [smem:$0x3FAC]  }
0x29: {  	s4 =	sld [smem:$0x3FAE]  }
0x2a: {  	p0 =	seq.s32 s5, $0x0;
	s5 =	sld [smem:$0x3FAF]  }
0x2b: {  	s6 =	sld [smem:$0x3FB0]  }
0x2c: {  	s7 =	sld [smem:$0x3FB1]  }
0x2d: {  	s3 =	simm.s32 $0x108;
	s8 =	sld [smem:$0x3FB2]  }
0x2e: {  	s3 =	simm.s32 @!p0 $0x1082;
	s9 =	sld [smem:$0x3FB3]  }
0x2f: {  	lr =	sadd.s32 s0, s3;
	s0 =	sld [smem:$0x3FAA]  }
0x30: {  	s3 =	sld [smem:$0x3FAD]  }
0x31: {  	[smem:$0x3FB6] =	sst s10  }
0x32: {  	s10 =	sld [smem:$0x3FB4];
	_ =	sdelay $0x3  }
0x33: {  	p0 =	seq.s32 s10, $0x1;
	s10 =	sld [smem:$0x3FB6];
	_ =	sdelay $0x3  }
0x34: {  	[smem:$0x3FB6] =	sst s10  }
0x35: {  	s10 =	sld [smem:$0x3FB5];
	_ =	sdelay $0x3  }
0x36: {  	p1 =	seq.s32 s10, $0x1;
	s10 =	sld [smem:$0x3FB6];
	_ =	sdelay $0x3  }
0x37: {  	[smem:$0x3FB6] =	sst s10  }
0x38: {  	s10 =	sld [smem:$0x3FB7]  }
0x39: {  	_ = 	snop;
	(pc) =	sbr.ind lr, $3  }
0x3a: {  	_ = 	snop  }
0x3b: {  	_ = 	snop  }
0x3c: {  	p2 =	seq.s32 s10, $0x1;
	s10 =	sld [smem:$0x3FB6]  }
0x3d: {  	_ =	shalt  }
0x3e: {  	_ =	shalt  }
0x3f: {  	_ =	shalt  }
0x40: {  	_ =	shalt  }
0x41: {  	_ =	shalt  }
0x42: {  	_ =	shalt  }
0x43: {  	_ =	shalt  }
0x44: {  	_ =	shalt  }
0x45: {  	_ =	shalt  }
0x46: {  	_ =	shalt  }
0x47: {  	_ =	shalt  }
0x48: {  	_ =	shalt  }
0x49: {  	_ =	shalt  }
0x4a: {  	_ =	shalt  }
0x4b: {  	_ =	shalt  }
0x4c: {  	_ =	shalt  }
0x4d: {  	_ =	shalt  }
0x4e: {  	_ =	shalt  }
0x4f: {  	_ =	shalt  }
0x50: {  	_ =	shalt  }
0x51: {  	_ =	shalt  }
0x52: {  	_ =	shalt  }
0x53: {  	_ =	shalt  }
0x54: {  	_ =	shalt  }
0x55: {  	_ =	shalt  }
0x56: {  	_ =	shalt  }
0x57: {  	_ =	shalt  }
0x58: {  	_ =	shalt  }
0x59: {  	_ =	shalt  }
0x5a: {  	_ =	shalt  }
0x5b: {  	_ =	shalt  }
0x5c: {  	_ =	shalt  }
0x5d: {  	_ =	shalt  }
0x5e: {  	_ =	shalt  }
0x5f: {  	_ =	shalt  }
0x60: {  	_ =	shalt  }
0x61: {  	_ =	shalt  }
0x62: {  	_ =	shalt  }
0x63: {  	_ =	shalt  }
0x64: {  	_ =	shalt  }
0x65: {  	_ =	shalt  }
0x66: {  	_ =	shalt  }
0x67: {  	_ =	shalt  }
0x68: {  	_ =	shalt  }
0x69: {  	_ =	shalt  }
0x6a: {  	_ =	shalt  }
0x6b: {  	_ =	shalt  }
0x6c: {  	_ =	shalt  }
0x6d: {  	_ =	shalt  }
0x6e: {  	_ =	shalt  }
0x6f: {  	_ =	shalt  }
0x70: {  	_ =	shalt  }
0x71: {  	_ =	shalt  }
0x72: {  	_ =	shalt  }
0x73: {  	_ =	shalt  }
0x74: {  	_ =	shalt  }
0x75: {  	_ =	shalt  }
0x76: {  	_ =	shalt  }
0x77: {  	_ =	shalt  }
0x78: {  	_ =	shalt  }
0x79: {  	_ =	shalt  }
0x7a: {  	_ =	shalt  }
0x7b: {  	_ =	shalt  }
0x7c: {  	_ =	shalt  }
0x7d: {  	_ =	shalt  }
0x7e: {  	_ =	shalt  }
0x7f: {  	_ =	shalt  }
0x80: {  	_ =	shalt  }
0x81: {  	_ =	shalt  }
0x82: {  	_ =	shalt  }
0x83: {  	_ =	shalt  }
0x84: {  	_ =	shalt  }
0x85: {  	_ =	shalt  }
0x86: {  	_ =	shalt  }
0x87: {  	_ =	shalt  }
.Lfunc_end0:
.L_simem_size_0:
called_computation.1_lowered:
.L_overlay_start_0:
0x88: {  	s2 =	sld [smem:$0x3FD9]  }
0x89: {  	s3 =	sld [smem:$0x3FFE];
	_ =	sdelay $0x1  }
0x8a: {  	s1 =	srdreg.scid  }
0x8b: {  	s0 =	sand.u32 $0x1, s1  }
0x8c: {  	s17 =	sshll.u32 s0, $0xA;
	s2 =	sadd.s32 s3, s2  }
0x8d: {  	s2 =	sadd.s32 s2, s17  }
0x8e: {  	[smem:$0x3FC2] =	sst s2  }
0x8f: {  	_ = 	snop  }
0x90: {  	s2 =	sld [smem:$0x3FD0];
	(tm) =	ssettm $0x1  }
0x91: {  	s18 =	sld [smem:$0x3FFB];
	_ =	sdelay $0x3  }
0x92: {  	_ =	strace s18  }
0x93: {  	s3 =	sld [smem:$0x3FFC];
	_ =	sdelay $0x3  }
0x94: {  	_ =	strace s3  }
0x95: {  	s3 =	sld [smem:$0x3FFD];
	_ =	sdelay $0x3  }
0x96: {  	_ =	strace s3  }
0x97: {  	_ =	strace $0x8FFFFFFF  }
0x98: {  	s19 =	sld [smem:$0x3FDB];
	_ =	sdelay $0x1  }
0x99: {  	s4 =	simm.s32 $_scs_section_size  }
0x9a: {  	s5 =	simm.s32 $_size__tile_overlayer_lowered;
	s6 =	simm.s32 $_tile_overlayer_lowered  }
0x9b: {  	s22 =	simm.s32 $0x1BFF;
	s21 =	sshll.u32 s6, $0x1;
	s3 =	sadd.s32 s4, s19  }
0x9c: {  	s7 =	simm.s32 $0x0;
	s20 =	sshll.u32 s5, $0x1;
	s5 =	sadd.s32 s21, s3  }
0x9d: {  	[timem:s7], [sflag:s22] =	dma.local [hbm:s5], s20  }
0x9e: {  	_ =	swait.ge [sflag:s22], s20  }
0x9f: {  	s4 =	ssub.s32 $0x0, s20;
	[sflag:s22] =	ssyncset.done $0x0  }
0xa0: {  	[sflag:s22] =	ssyncadd.s32 s4;
	_ =	sdelay $0x1  }
0xa1: {  	s23 =	simm.s32 $0x1B8B  }
0xa2: {  	_ =	swait.ge [sflag:s23], $0x1  }
0xa3: {  	[sflag:s23] =	ssyncset.done $0x0  }
0xa4: {  	s25 =	simm.s32 $0x1B8E;
	s24 =	sld [smem:$0x3FFE];
	[sflag:s23] =	ssyncadd.s32 $0xFFFFFFFF  }
0xa5: {  	s26 =	simm.s32 $execute0_lowered;
	[smem:$0x3FD2] =	sst s25  }
0xa6: {  	s5 =	sshll.u32 s26, $0x1;
	_ =	strace $0x80000049;
	[dreg:$0x1] =	wrdreg $0xFFFFFFFF  }
0xa7: {  	s28 =	simm.s32 $_size_execute0_lowered;
	s3 =	sadd.s32 s3, s5;
	[dreg:$0x0] =	wrdreg $0x0  }
0xa8: {  	s5 =	sshll.u32 s28, $0x1;
	[dreg:$0x2] =	wrdreg s3  }
0xa9: {  	[dreg:$0x3] =	wrdreg s5  }
0xaa: {  	[dreg:$0x4] =	wrdreg $0xC0  }
0xab: {  	_ =	task [dreg:s7], $0x5FFFF  }
0xac: {  	[dreg:$0x1] =	wrdreg $0xFFFFFFFF  }
0xad: {  	[dreg:$0x0] =	wrdreg $0x60  }
0xae: {  	[dreg:$0x2] =	wrdreg s24  }
0xaf: {  	[dreg:$0x3] =	wrdreg s2  }
0xb0: {  	[dreg:$0x4] =	wrdreg $0x9  }
0xb1: {  	_ =	task.clear_ibuf [dreg:s7], $0x5FFFF;
	_ =	strace $0x90000049  }
0xb2: {  	s29 =	simm.s32 $0x9;
	_ =	strace $0x8000004B  }
0xb3: {  	_ =	swait.ge [sflag:s29], $0x1  }
0xb4: {  	[sflag:s29] =	ssyncadd.s32 $0xFFFFFFFF  }
0xb5: {  	_ =	strace $0x9000004B  }
0xb6: {  	_ =	sfence  }
0xb7: {  	s30 =	sld [smem:$0x0];
	_ =	sdelay $0x2  }
0xb8: {  	s31 =	sshll.u32 s1, $0xD;
	s1 =	sshrl.u32 s1, $0x2  }
0xb9: {  	s3 =	sand.u32 $0x4000, s31;
	s1 =	sadd.s32 s1, s30  }
0xba: {  	s0 =	sor.u32 s3, s0;
	s1 =	sshll.u32 s1, $0x11  }
0xbb: {  	s0 =	sor.u32 s1, s0  }
0xbc: {  	s0 =	sadd.s32 $0x8F2B, s0  }
0xbd: {  	[sflag:s0] =	ssyncadd.remote.s32 $0x1  }
0xbe: {  	_ =	sfence.sel $0xFFFF  }
0xbf: {  	[dreg:$0x0] =	wrdreg $0xFFFFFFFF;
	(pc) =	sbr.abs _section_cstart, $3  }
0xc0: {  	[dreg:$0x1] =	wrdreg $0xFFFFFFFF  }
0xc1: {  	_ =	task.clear_ibuf [dreg:s7], $0x2FFFF;
	_ =	strace $0x9FFFFFFF  }
0xc2: {  	(tm) =	ssettm $0x7FFFFFFF  }
0xc3: {  	_ =	shalt  }
tec
execute0_lowered:
.L_overlay_start_1:
0x0: {  	(tag) =	ssettag $0x1  }
0x1: {  	s1 =	srdreg.scid  }
0x2: {  	s3 =	rddreg [dreg:$0x0];
	s0 =	stileid.u32  }
0x3: {  	s5 =	rddreg [dreg:$0x1];
	s2 =	simm.s32 $0x0;
	s9 =	simm.s32 $0x7000  }
0x4: {  	s10 =	simm.s32 $0xF000;
	s11 =	simm.s32 $0x7080;
	s12 =	simm.s32 $0x11000  }
0x5: {  	s13 =	simm.s32 $0x7100;
	s14 =	simm.s32 $0x13000;
	s15 =	simm.s32 $0x7180  }
0x6: {  	s16 =	simm.s32 $0x15000;
	s17 =	simm.s32 $0x1;
	s18 =	simm.s32 $0x2  }
0x7: {  	s19 =	simm.s32 $0x3;
	s20 =	simm.s32 $0x4;
	s21 =	simm.s32 $0x17000  }
0x8: {  	s22 =	simm.s32 $0x0;
	s4 =	sand.u32 $0x1, s1;
	s1 =	rddreg [dreg:$0x2]  }
0x9: {  	s6 =	sshll.u32 s0, $0xA;
	[smem:$0x7FF] =	sst s2;
	s7 =	sshll.u32 s4, $0x9  }
.Ltmp0:
0xa: {  	s4 =	ssub.s32 $0x2, s4;
	s6 =	sor.u32 s7, s6;
	(pc) =	sbr.rel .LBB2_1-.Ltmp0, $4  }
0xb: {  	s8 =	sshrl.u32 s4, $0x1;
	s7 =	smul.u32 $0x7, s6;
	s6 =	sshll.u32 s6, $0x3  }
0xc: {  	_ =	strace $0x8000004A;
	s8 =	ssub.s32 s4, s8;
	s5 =	sadd.s32 s5, s6  }
0xd: {  	s6 =	smax.u32 s8, $0x1;
	s8 =	simm.s32 $0x80;
	s7 =	sadd.s32 s7, s3  }
0xe: {  	s3 =	sadd.s32 $0xF5F600, s3;
	s4 =	sadd.s32 $0xF43600, s7;
	s7 =	simm.s32 $0x5  }
.LBB2_22:
0xf: {  	s22 =	sadd.s32 $0x1, s22  }
0x10: {  	p0 =	sne.s32 s22, s6  }
.Ltmp1:
0x11: {  	_ = 	snop;
	(pc) =	sbr.rel @!p0 .LBB2_23-.Ltmp1, $4  }
0x12: {  	[hbm4b:s5+s2] =	stream.linear.scatter [tilespmem:s21], [sflag:$0x5], $0x8000, $0x38;
	[tilespmem:$0x1F000] =	vst v63  }
0x13: {  	_ =	swait.ge [sflag:s7], $0x8000  }
0x14: {  	[sflag:s7] =	ssyncset.done $0x0  }
0x15: {  	[sflag:s7] =	ssyncadd.s32 $0xFFFF8000  }
.LBB2_1:
0x16: {  	[tilespmem:s2], [sflag:$0x5] =	stream.linear.gather [hbm4b:s4+s2], $0x7000, $0x38;
	[tilespmem:$0x1F000] =	vst v63  }
0x17: {  	_ =	swait.ge [sflag:s7], $0x7000  }
0x18: {  	[sflag:s7] =	ssyncset.done $0x0  }
0x19: {  	s24 =	simm.s32 $0x0;
	[sflag:s7] =	ssyncadd.s32 $0xFFFF9000  }
0x1a: {  	v0 =	vld [tilespmem:s24+$0x0];
	_ =	sdelay $0x4  }
0x1b: {  	s23 =	simm.s32 $0x7040;
	v0 =	vshll.u32 v0, $0x1  }
0x1c: {  	[tilespmem:s23+$0xFFFFFFC0] =	vst v0  }
0x1d: {  	v0 =	vld [tilespmem:s24+$0x10];
	_ =	sdelay $0x4  }
0x1e: {  	v0 =	vshll.u32 v0, $0x1  }
0x1f: {  	[tilespmem:s23+$0xFFFFFFD0] =	vst v0  }
0x20: {  	v0 =	vld [tilespmem:s24+$0x20];
	_ =	sdelay $0x4  }
0x21: {  	v0 =	vshll.u32 v0, $0x1  }
0x22: {  	[tilespmem:s23+$0xFFFFFFE0] =	vst v0  }
0x23: {  	v0 =	vld [tilespmem:s24+$0x22];
	_ =	sdelay $0x4  }
0x24: {  	v0 =	vshll.u32 v0, $0x1  }
0x25: {  	[tilespmem:s23+$0xFFFFFFF0] =	vst v0  }
0x26: {  	[tilespmem:s23+$0xFFFFFFE2] =	vst v0  }
0x27: {  	v0 =	vld [tilespmem:s24+$0x38];
	_ =	sdelay $0x4  }
0x28: {  	v0 =	vshll.u32 v0, $0x1  }
0x29: {  	[tilespmem:s23+$0x0] =	vst v0  }
0x2a: {  	v0 =	vld [tilespmem:s24+$0x48];
	_ =	sdelay $0x4  }
0x2b: {  	v0 =	vshll.u32 v0, $0x1  }
0x2c: {  	[tilespmem:s23+$0x10] =	vst v0  }
0x2d: {  	v0 =	vld [tilespmem:s24+$0x58];
	_ =	sdelay $0x4  }
0x2e: {  	v0 =	vshll.u32 v0, $0x1  }
0x2f: {  	[tilespmem:s23+$0x20] =	vst v0  }
0x30: {  	v0 =	vld [tilespmem:s24+$0x5A];
	_ =	sdelay $0x4  }
0x31: {  	v0 =	vshll.u32 v0, $0x1  }
0x32: {  	[tilespmem:s23+$0x30] =	vst v0  }
0x33: {  	s24 =	simm.s32 $0x70;
	[tilespmem:s23+$0x22] =	vst v0  }
0x34: {  	v0 =	vld [tilespmem:s24+$0x0]  }
0x35: {  	s25 =	simm.s32 $0x380  }
.LBB2_2:
0x36: {  	p0 =	sne.s32 s25, $0x1BE40;
	_ =	sdelay $0x2  }
0x37: {  	s23 =	sadd.s32 $0x80, s23;
	v0 =	vshll.u32 v0, $0x1  }
0x38: {  	[tilespmem:s23+$0xFFFFFFC0] =	vst v0  }
0x39: {  	v0 =	vld [tilespmem:s24+$0x10];
	_ =	sdelay $0x4  }
0x3a: {  	v0 =	vshll.u32 v0, $0x1  }
0x3b: {  	[tilespmem:s23+$0xFFFFFFD0] =	vst v0  }
0x3c: {  	v0 =	vld [tilespmem:s24+$0x20];
	_ =	sdelay $0x4  }
0x3d: {  	v0 =	vshll.u32 v0, $0x1  }
0x3e: {  	[tilespmem:s23+$0xFFFFFFE0] =	vst v0  }
0x3f: {  	v0 =	vld [tilespmem:s24+$0x22];
	_ =	sdelay $0x4  }
0x40: {  	v0 =	vshll.u32 v0, $0x1  }
0x41: {  	[tilespmem:s23+$0xFFFFFFF0] =	vst v0  }
0x42: {  	[tilespmem:s23+$0xFFFFFFE2] =	vst v0  }
0x43: {  	v0 =	vld [tilespmem:s24+$0x38];
	_ =	sdelay $0x4  }
0x44: {  	v0 =	vshll.u32 v0, $0x1  }
0x45: {  	[tilespmem:s23+$0x0] =	vst v0  }
0x46: {  	v0 =	vld [tilespmem:s24+$0x48];
	_ =	sdelay $0x4  }
0x47: {  	v0 =	vshll.u32 v0, $0x1  }
0x48: {  	[tilespmem:s23+$0x10] =	vst v0  }
0x49: {  	v0 =	vld [tilespmem:s24+$0x58];
	_ =	sdelay $0x4  }
0x4a: {  	v0 =	vshll.u32 v0, $0x1  }
0x4b: {  	[tilespmem:s23+$0x20] =	vst v0  }
0x4c: {  	v0 =	vld [tilespmem:s24+$0x5A];
	_ =	sdelay $0x4  }
.Ltmp2:
0x4d: {  	v0 =	vshll.u32 v0, $0x1;
	(pc) =	sbr.rel @p0 .LBB2_2-.Ltmp2, $4  }
0x4e: {  	[tilespmem:s23+$0x30] =	vst v0  }
0x4f: {  	s24 =	sshra.s32 s25, $0x2;
	[tilespmem:s23+$0x22] =	vst v0  }
0x50: {  	v0 =	vld [tilespmem:s24+$0x0]  }
0x51: {  	s25 =	sadd.s32 $0x1C0, s25  }
0x52: {  	_ =	sdelay $0x2  }
0x53: {  	s23 =	sadd.s32 $0x80, s23;
	v0 =	vshll.u32 v0, $0x1  }
0x54: {  	[tilespmem:s23+$0xFFFFFFC0] =	vst v0  }
0x55: {  	v0 =	vld [tilespmem:s24+$0x10];
	_ =	sdelay $0x4  }
0x56: {  	v0 =	vshll.u32 v0, $0x1  }
0x57: {  	[tilespmem:s23+$0xFFFFFFD0] =	vst v0  }
0x58: {  	v0 =	vld [tilespmem:s24+$0x20];
	_ =	sdelay $0x4  }
0x59: {  	v0 =	vshll.u32 v0, $0x1  }
0x5a: {  	[tilespmem:s23+$0xFFFFFFE0] =	vst v0  }
0x5b: {  	v0 =	vld [tilespmem:s24+$0x22];
	_ =	sdelay $0x4  }
0x5c: {  	v0 =	vshll.u32 v0, $0x1  }
0x5d: {  	[tilespmem:s23+$0xFFFFFFF0] =	vst v0  }
0x5e: {  	[tilespmem:s23+$0xFFFFFFE2] =	vst v0  }
0x5f: {  	v0 =	vld [tilespmem:s24+$0x38];
	_ =	sdelay $0x4  }
0x60: {  	v0 =	vshll.u32 v0, $0x1  }
0x61: {  	[tilespmem:s23+$0x0] =	vst v0  }
0x62: {  	v0 =	vld [tilespmem:s24+$0x48];
	_ =	sdelay $0x4  }
0x63: {  	v0 =	vshll.u32 v0, $0x1  }
0x64: {  	[tilespmem:s23+$0x10] =	vst v0  }
0x65: {  	v0 =	vld [tilespmem:s24+$0x58];
	_ =	sdelay $0x4  }
0x66: {  	v0 =	vshll.u32 v0, $0x1  }
0x67: {  	[tilespmem:s23+$0x20] =	vst v0  }
0x68: {  	v0 =	vld [tilespmem:s24+$0x5A];
	_ =	sdelay $0x4  }
0x69: {  	v0 =	vshll.u32 v0, $0x1  }
0x6a: {  	[tilespmem:s23+$0x30] =	vst v0  }
0x6b: {  	[tilespmem:s23+$0x22] =	vst v0  }
0x6c: {  	[tilespmem:s10], [sflag:$0x1] =	stream.indirect.gather [hbm4b:s3+s8], $0x40, s9, s8, $0xb8;
	[tilespmem:$0x1F000] =	vst v63  }
0x6d: {  	_ = 	snop  }
0x6e: {  	[tilespmem:s12], [sflag:$0x2] =	stream.indirect.gather [hbm4b:s3+s8], $0x40, s11, s8, $0xb8;
	[tilespmem:$0x1F000] =	vst v63  }
0x6f: {  	_ = 	snop  }
0x70: {  	[tilespmem:s14], [sflag:$0x3] =	stream.indirect.gather [hbm4b:s3+s8], $0x40, s13, s8, $0xb8;
	[tilespmem:$0x1F000] =	vst v63  }
0x71: {  	s23 =	simm.s32 $0x0  }
0x72: {  	[tilespmem:s16], [sflag:$0x4] =	stream.indirect.gather [hbm4b:s3+s8], $0x40, s15, s8, $0xb8;
	[tilespmem:$0x1F000] =	vst v63  }
.LBB2_4:
0x73: {  	_ =	swait.ge [sflag:s17], $0x2000  }
0x74: {  	[sflag:s17] =	ssyncset.done $0x0  }
0x75: {  	s25 =	simm.s32 $0x0;
	[sflag:s17] =	ssyncadd.s32 $0xFFFFE000  }
0x76: {  	v0 =	vld [tilespmem:s25+$0xF030]  }
0x77: {  	v1 =	vld [tilespmem:s25+$0xF070]  }
0x78: {  	v3 =	vld [tilespmem:s25+$0xF000]  }
0x79: {  	v5 =	vld [tilespmem:s25+$0xF040]  }
0x7a: {  	v4 =	vld [tilespmem:s25+$0xF010]  }
0x7b: {  	v7 =	vld [tilespmem:s25+$0xF050]  }
0x7c: {  	v2 =	vld [tilespmem:s25+$0xF020];
	v0 =	vadd.f32 v1, v0  }
0x7d: {  	s24 =	simm.s32 $0x80;
	v6 =	vimm.f32 $0.0e+00;
	v8 =	vld [tilespmem:s25+$0xF060];
	v1 =	vimm.f32 $0.0e+00  }
0x7e: {  	s25 =	simm.s32 $0x400;
	v9 =	vadd.f32 v5, v3;
	v3 =	vld [tilespmem:s24+$0xF030];
	v5 =	vimm.f32 $0.0e+00;
	v0 =	vadd.f32 v0, v1  }
.LBB2_5:
0x7f: {  	p0 =	sne.s32 s25, $0x3000;
	v10 =	vld [tilespmem:s24+$0xF070]  }
0x80: {  	v11 =	vld [tilespmem:s24+$0xF000];
	v1 =	vadd.f32 v9, v1;
	v7 =	vadd.f32 v7, v4  }
0x81: {  	v9 =	vld [tilespmem:s24+$0xF040]  }
.Ltmp3:
0x82: {  	v4 =	vld [tilespmem:s24+$0xF010];
	v6 =	vadd.f32 v7, v6;
	v8 =	vadd.f32 v8, v2;
	(pc) =	sbr.rel @p0 .LBB2_5-.Ltmp3, $4  }
0x83: {  	v7 =	vld [tilespmem:s24+$0xF050]  }
0x84: {  	v2 =	vld [tilespmem:s24+$0xF020];
	v10 =	vadd.f32 v10, v3;
	v5 =	vadd.f32 v8, v5  }
0x85: {  	v8 =	vld [tilespmem:s24+$0xF060];
	s24 =	sshra.s32 s25, $0x2  }
0x86: {  	s25 =	sadd.s32 $0x200, s25;
	v3 =	vld [tilespmem:s24+$0xF030];
	v9 =	vadd.f32 v9, v11;
	v0 =	vadd.f32 v10, v0  }
0x87: {  	v10 =	vld [tilespmem:s24+$0xF000]  }
0x88: {  	v11 =	vld [tilespmem:s24+$0xF040]  }
0x89: {  	v12 =	vld [tilespmem:s24+$0xF010]  }
0x8a: {  	v13 =	vld [tilespmem:s24+$0xF050]  }
0x8b: {  	v14 =	vld [tilespmem:s24+$0xF020]  }
0x8c: {  	v4 =	vadd.f32 v7, v4;
	v7 =	vld [tilespmem:s24+$0xF070]  }
0x8d: {  	v15 =	vld [tilespmem:s24+$0xF060]  }
0x8e: {  	v1 =	vadd.f32 v9, v1;
	v2 =	vadd.f32 v8, v2  }
0x8f: {  	v4 =	vadd.f32 v4, v6;
	v6 =	vadd.f32 v11, v10  }
0x90: {  	v2 =	vadd.f32 v2, v5;
	v5 =	vadd.f32 v13, v12  }
0x91: {  	s25 =	sshll.u32 s23, $0xB;
	v3 =	vadd.f32 v7, v3;
	v1 =	vadd.f32 v6, v1  }
0x92: {  	s24 =	sshra.s32 s25, $0x2;
	v6 =	vadd.f32 v15, v14;
	v4 =	vadd.f32 v5, v4  }
0x93: {  	v0 =	vadd.f32 v3, v0;
	[tilespmem:s24+$0x17000] =	vst v1  }
0x94: {  	v2 =	vadd.f32 v6, v2;
	[tilespmem:s24+$0x17010] =	vst v4  }
0x95: {  	[tilespmem:s24+$0x17030] =	vst v0  }
0x96: {  	s28 =	simm.s32 $0x0;
	[tilespmem:s24+$0x17020] =	vst v2  }
0x97: {  	v0 =	vld [tilespmem:s28+$0x10030]  }
0x98: {  	v1 =	vld [tilespmem:s28+$0x10070]  }
0x99: {  	v4 =	vld [tilespmem:s28+$0x10000]  }
0x9a: {  	v5 =	vld [tilespmem:s28+$0x10040]  }
0x9b: {  	v3 =	vld [tilespmem:s28+$0x10010]  }
0x9c: {  	v7 =	vld [tilespmem:s28+$0x10050]  }
0x9d: {  	v2 =	vld [tilespmem:s28+$0x10020];
	v0 =	vadd.f32 v1, v0  }
0x9e: {  	s26 =	simm.s32 $0x80;
	v6 =	vimm.f32 $0.0e+00;
	v8 =	vld [tilespmem:s28+$0x10060];
	v1 =	vimm.f32 $0.0e+00  }
0x9f: {  	s28 =	simm.s32 $0x400;
	v9 =	vadd.f32 v5, v4;
	v4 =	vld [tilespmem:s26+$0x10030];
	v5 =	vimm.f32 $0.0e+00;
	v0 =	vadd.f32 v0, v1  }
.LBB2_7:
0xa0: {  	p0 =	sne.s32 s28, $0x3000;
	v10 =	vld [tilespmem:s26+$0x10070]  }
0xa1: {  	v11 =	vld [tilespmem:s26+$0x10000];
	v1 =	vadd.f32 v9, v1;
	v7 =	vadd.f32 v7, v3  }
0xa2: {  	v9 =	vld [tilespmem:s26+$0x10040]  }
.Ltmp4:
0xa3: {  	v3 =	vld [tilespmem:s26+$0x10010];
	v6 =	vadd.f32 v7, v6;
	v8 =	vadd.f32 v8, v2;
	(pc) =	sbr.rel @p0 .LBB2_7-.Ltmp4, $4  }
0xa4: {  	v7 =	vld [tilespmem:s26+$0x10050]  }
0xa5: {  	v2 =	vld [tilespmem:s26+$0x10020];
	v10 =	vadd.f32 v10, v4;
	v5 =	vadd.f32 v8, v5  }
0xa6: {  	v8 =	vld [tilespmem:s26+$0x10060];
	s26 =	sshra.s32 s28, $0x2  }
0xa7: {  	s28 =	sadd.s32 $0x200, s28;
	v4 =	vld [tilespmem:s26+$0x10030];
	v9 =	vadd.f32 v9, v11;
	v0 =	vadd.f32 v10, v0  }
0xa8: {  	v10 =	vld [tilespmem:s26+$0x10000]  }
0xa9: {  	v11 =	vld [tilespmem:s26+$0x10040]  }
0xaa: {  	v12 =	vld [tilespmem:s26+$0x10010]  }
0xab: {  	v13 =	vld [tilespmem:s26+$0x10050]  }
0xac: {  	v14 =	vld [tilespmem:s26+$0x10020]  }
0xad: {  	v3 =	vadd.f32 v7, v3;
	v7 =	vld [tilespmem:s26+$0x10070]  }
0xae: {  	v15 =	vld [tilespmem:s26+$0x10060]  }
0xaf: {  	v1 =	vadd.f32 v9, v1;
	v2 =	vadd.f32 v8, v2  }
0xb0: {  	v3 =	vadd.f32 v3, v6;
	v6 =	vadd.f32 v11, v10  }
0xb1: {  	v2 =	vadd.f32 v2, v5;
	v5 =	vadd.f32 v13, v12  }
0xb2: {  	v4 =	vadd.f32 v7, v4;
	v1 =	vadd.f32 v6, v1  }
0xb3: {  	v6 =	vadd.f32 v15, v14;
	v3 =	vadd.f32 v5, v3  }
0xb4: {  	v0 =	vadd.f32 v4, v0;
	[tilespmem:s24+$0x17040] =	vst v1  }
0xb5: {  	p0 =	seq.s32 s23, $0x3F;
	v2 =	vadd.f32 v6, v2;
	[tilespmem:s24+$0x17050] =	vst v3  }
0xb6: {  	s25 =	sshra.s32 @!p0 s25, $0x2;
	[tilespmem:s24+$0x17070] =	vst v0  }
0xb7: {  	s28 =	simm.s32 @!p0 $0x80;
	s29 =	simm.s32 @!p0 $0xF000;
	s26 =	sadd.s32 @!p0 $0x7200, s25;
	[tilespmem:s24+$0x17060] =	vst v2  }
0xb8: {  	[tilespmem:s29], [sflag:$0x1] =	stream.indirect.gather @!p0 [hbm4b:s3+s28], $0x40, s26, s28, $0xb8;
	[tilespmem:$0x1F000] =	vst v63  }
0xb9: {  	_ =	swait.ge [sflag:s18], $0x2000  }
0xba: {  	[sflag:s18] =	ssyncset.done $0x0  }
0xbb: {  	s28 =	simm.s32 $0x0;
	[sflag:s18] =	ssyncadd.s32 $0xFFFFE000  }
0xbc: {  	v0 =	vld [tilespmem:s28+$0x11030]  }
0xbd: {  	v1 =	vld [tilespmem:s28+$0x11070]  }
0xbe: {  	v4 =	vld [tilespmem:s28+$0x11000]  }
0xbf: {  	v5 =	vld [tilespmem:s28+$0x11040]  }
0xc0: {  	v3 =	vld [tilespmem:s28+$0x11010]  }
0xc1: {  	v7 =	vld [tilespmem:s28+$0x11050]  }
0xc2: {  	v2 =	vld [tilespmem:s28+$0x11020];
	v0 =	vadd.f32 v1, v0  }
0xc3: {  	v6 =	vimm.f32 $0.0e+00;
	s26 =	simm.s32 $0x80;
	v8 =	vld [tilespmem:s28+$0x11060];
	v1 =	vimm.f32 $0.0e+00  }
0xc4: {  	s28 =	simm.s32 $0x400;
	v9 =	vadd.f32 v5, v4;
	v4 =	vld [tilespmem:s26+$0x11030];
	v5 =	vimm.f32 $0.0e+00;
	v0 =	vadd.f32 v0, v1  }
.LBB2_9:
0xc5: {  	p1 =	sne.s32 s28, $0x3000;
	v10 =	vld [tilespmem:s26+$0x11070]  }
0xc6: {  	v11 =	vld [tilespmem:s26+$0x11000];
	v1 =	vadd.f32 v9, v1;
	v7 =	vadd.f32 v7, v3  }
0xc7: {  	v9 =	vld [tilespmem:s26+$0x11040]  }
.Ltmp5:
0xc8: {  	v3 =	vld [tilespmem:s26+$0x11010];
	v6 =	vadd.f32 v7, v6;
	v8 =	vadd.f32 v8, v2;
	(pc) =	sbr.rel @p1 .LBB2_9-.Ltmp5, $4  }
0xc9: {  	v7 =	vld [tilespmem:s26+$0x11050]  }
0xca: {  	v2 =	vld [tilespmem:s26+$0x11020];
	v10 =	vadd.f32 v10, v4;
	v5 =	vadd.f32 v8, v5  }
0xcb: {  	v8 =	vld [tilespmem:s26+$0x11060];
	s26 =	sshra.s32 s28, $0x2  }
0xcc: {  	s28 =	sadd.s32 $0x200, s28;
	v4 =	vld [tilespmem:s26+$0x11030];
	v9 =	vadd.f32 v9, v11;
	v0 =	vadd.f32 v10, v0  }
0xcd: {  	v10 =	vld [tilespmem:s26+$0x11000]  }
0xce: {  	v11 =	vld [tilespmem:s26+$0x11040]  }
0xcf: {  	v12 =	vld [tilespmem:s26+$0x11010]  }
0xd0: {  	v13 =	vld [tilespmem:s26+$0x11050]  }
0xd1: {  	v14 =	vld [tilespmem:s26+$0x11020]  }
0xd2: {  	v3 =	vadd.f32 v7, v3;
	v7 =	vld [tilespmem:s26+$0x11070]  }
0xd3: {  	v15 =	vld [tilespmem:s26+$0x11060]  }
0xd4: {  	v1 =	vadd.f32 v9, v1;
	v2 =	vadd.f32 v8, v2  }
0xd5: {  	v3 =	vadd.f32 v3, v6;
	v6 =	vadd.f32 v11, v10  }
0xd6: {  	v2 =	vadd.f32 v2, v5;
	v5 =	vadd.f32 v13, v12  }
0xd7: {  	v4 =	vadd.f32 v7, v4;
	v1 =	vadd.f32 v6, v1  }
0xd8: {  	v6 =	vadd.f32 v15, v14;
	v3 =	vadd.f32 v5, v3  }
0xd9: {  	v0 =	vadd.f32 v4, v0;
	[tilespmem:s24+$0x17080] =	vst v1  }
0xda: {  	v2 =	vadd.f32 v6, v2;
	[tilespmem:s24+$0x17090] =	vst v3  }
0xdb: {  	[tilespmem:s24+$0x170B0] =	vst v0  }
0xdc: {  	s28 =	simm.s32 $0x0;
	[tilespmem:s24+$0x170A0] =	vst v2  }
0xdd: {  	v0 =	vld [tilespmem:s28+$0x12030]  }
0xde: {  	v1 =	vld [tilespmem:s28+$0x12070]  }
0xdf: {  	v4 =	vld [tilespmem:s28+$0x12000]  }
0xe0: {  	v5 =	vld [tilespmem:s28+$0x12040]  }
0xe1: {  	v3 =	vld [tilespmem:s28+$0x12010]  }
0xe2: {  	v7 =	vld [tilespmem:s28+$0x12050]  }
0xe3: {  	v2 =	vld [tilespmem:s28+$0x12020];
	v0 =	vadd.f32 v1, v0  }
0xe4: {  	s26 =	simm.s32 $0x80;
	v6 =	vimm.f32 $0.0e+00;
	v8 =	vld [tilespmem:s28+$0x12060];
	v1 =	vimm.f32 $0.0e+00  }
0xe5: {  	s28 =	simm.s32 $0x400;
	v9 =	vadd.f32 v5, v4;
	v4 =	vld [tilespmem:s26+$0x12030];
	v5 =	vimm.f32 $0.0e+00;
	v0 =	vadd.f32 v0, v1  }
.LBB2_11:
0xe6: {  	p1 =	sne.s32 s28, $0x3000;
	v10 =	vld [tilespmem:s26+$0x12070]  }
0xe7: {  	v11 =	vld [tilespmem:s26+$0x12000];
	v1 =	vadd.f32 v9, v1;
	v7 =	vadd.f32 v7, v3  }
0xe8: {  	v9 =	vld [tilespmem:s26+$0x12040]  }
.Ltmp6:
0xe9: {  	v3 =	vld [tilespmem:s26+$0x12010];
	v6 =	vadd.f32 v7, v6;
	v8 =	vadd.f32 v8, v2;
	(pc) =	sbr.rel @p1 .LBB2_11-.Ltmp6, $4  }
0xea: {  	v7 =	vld [tilespmem:s26+$0x12050]  }
0xeb: {  	v2 =	vld [tilespmem:s26+$0x12020];
	v10 =	vadd.f32 v10, v4;
	v5 =	vadd.f32 v8, v5  }
0xec: {  	v8 =	vld [tilespmem:s26+$0x12060];
	s26 =	sshra.s32 s28, $0x2  }
0xed: {  	s28 =	sadd.s32 $0x200, s28;
	v4 =	vld [tilespmem:s26+$0x12030];
	v9 =	vadd.f32 v9, v11;
	v0 =	vadd.f32 v10, v0  }
0xee: {  	v10 =	vld [tilespmem:s26+$0x12000]  }
0xef: {  	v11 =	vld [tilespmem:s26+$0x12040]  }
0xf0: {  	v12 =	vld [tilespmem:s26+$0x12010]  }
0xf1: {  	v13 =	vld [tilespmem:s26+$0x12050]  }
0xf2: {  	v14 =	vld [tilespmem:s26+$0x12020]  }
0xf3: {  	v3 =	vadd.f32 v7, v3;
	v7 =	vld [tilespmem:s26+$0x12070]  }
0xf4: {  	v15 =	vld [tilespmem:s26+$0x12060]  }
0xf5: {  	v1 =	vadd.f32 v9, v1;
	v2 =	vadd.f32 v8, v2  }
0xf6: {  	v3 =	vadd.f32 v3, v6;
	v6 =	vadd.f32 v11, v10  }
0xf7: {  	v2 =	vadd.f32 v2, v5;
	v5 =	vadd.f32 v13, v12  }
0xf8: {  	v4 =	vadd.f32 v7, v4;
	v1 =	vadd.f32 v6, v1  }
0xf9: {  	v6 =	vadd.f32 v15, v14;
	v3 =	vadd.f32 v5, v3  }
0xfa: {  	v0 =	vadd.f32 v4, v0;
	[tilespmem:s24+$0x170C0] =	vst v1  }
0xfb: {  	v2 =	vadd.f32 v6, v2;
	[tilespmem:s24+$0x170D0] =	vst v3  }
0xfc: {  	[tilespmem:s24+$0x170F0] =	vst v0  }
0xfd: {  	s28 =	simm.s32 @!p0 $0x80;
	s29 =	simm.s32 @!p0 $0x11000;
	s26 =	sadd.s32 @!p0 $0x7280, s25;
	[tilespmem:s24+$0x170E0] =	vst v2  }
0xfe: {  	[tilespmem:s29], [sflag:$0x2] =	stream.indirect.gather @!p0 [hbm4b:s3+s28], $0x40, s26, s28, $0xb8;
	[tilespmem:$0x1F000] =	vst v63  }
0xff: {  	_ =	swait.ge [sflag:s19], $0x2000  }
0x100: {  	[sflag:s19] =	ssyncset.done $0x0  }
0x101: {  	s28 =	simm.s32 $0x0;
	[sflag:s19] =	ssyncadd.s32 $0xFFFFE000  }
0x102: {  	v0 =	vld [tilespmem:s28+$0x13030]  }
0x103: {  	v1 =	vld [tilespmem:s28+$0x13070]  }
0x104: {  	v4 =	vld [tilespmem:s28+$0x13000]  }
0x105: {  	v5 =	vld [tilespmem:s28+$0x13040]  }
0x106: {  	v3 =	vld [tilespmem:s28+$0x13010]  }
0x107: {  	v7 =	vld [tilespmem:s28+$0x13050]  }
0x108: {  	v2 =	vld [tilespmem:s28+$0x13020];
	v0 =	vadd.f32 v1, v0  }
0x109: {  	v6 =	vimm.f32 $0.0e+00;
	s26 =	simm.s32 $0x80;
	v8 =	vld [tilespmem:s28+$0x13060];
	v1 =	vimm.f32 $0.0e+00  }
0x10a: {  	s28 =	simm.s32 $0x400;
	v9 =	vadd.f32 v5, v4;
	v4 =	vld [tilespmem:s26+$0x13030];
	v5 =	vimm.f32 $0.0e+00;
	v0 =	vadd.f32 v0, v1  }
.LBB2_13:
0x10b: {  	p1 =	sne.s32 s28, $0x3000;
	v10 =	vld [tilespmem:s26+$0x13070]  }
0x10c: {  	v11 =	vld [tilespmem:s26+$0x13000];
	v1 =	vadd.f32 v9, v1;
	v7 =	vadd.f32 v7, v3  }
0x10d: {  	v9 =	vld [tilespmem:s26+$0x13040]  }
.Ltmp7:
0x10e: {  	v3 =	vld [tilespmem:s26+$0x13010];
	v6 =	vadd.f32 v7, v6;
	v8 =	vadd.f32 v8, v2;
	(pc) =	sbr.rel @p1 .LBB2_13-.Ltmp7, $4  }
0x10f: {  	v7 =	vld [tilespmem:s26+$0x13050]  }
0x110: {  	v2 =	vld [tilespmem:s26+$0x13020];
	v10 =	vadd.f32 v10, v4;
	v5 =	vadd.f32 v8, v5  }
0x111: {  	v8 =	vld [tilespmem:s26+$0x13060];
	s26 =	sshra.s32 s28, $0x2  }
0x112: {  	s28 =	sadd.s32 $0x200, s28;
	v4 =	vld [tilespmem:s26+$0x13030];
	v9 =	vadd.f32 v9, v11;
	v0 =	vadd.f32 v10, v0  }
0x113: {  	v10 =	vld [tilespmem:s26+$0x13000]  }
0x114: {  	v11 =	vld [tilespmem:s26+$0x13040]  }
0x115: {  	v12 =	vld [tilespmem:s26+$0x13010]  }
0x116: {  	v13 =	vld [tilespmem:s26+$0x13050]  }
0x117: {  	v14 =	vld [tilespmem:s26+$0x13020]  }
0x118: {  	v3 =	vadd.f32 v7, v3;
	v7 =	vld [tilespmem:s26+$0x13070]  }
0x119: {  	v15 =	vld [tilespmem:s26+$0x13060]  }
0x11a: {  	v1 =	vadd.f32 v9, v1;
	v2 =	vadd.f32 v8, v2  }
0x11b: {  	v3 =	vadd.f32 v3, v6;
	v6 =	vadd.f32 v11, v10  }
0x11c: {  	v2 =	vadd.f32 v2, v5;
	v5 =	vadd.f32 v13, v12  }
0x11d: {  	v4 =	vadd.f32 v7, v4;
	v1 =	vadd.f32 v6, v1  }
0x11e: {  	v6 =	vadd.f32 v15, v14;
	v3 =	vadd.f32 v5, v3  }
0x11f: {  	v0 =	vadd.f32 v4, v0;
	[tilespmem:s24+$0x17100] =	vst v1  }
0x120: {  	v2 =	vadd.f32 v6, v2;
	[tilespmem:s24+$0x17110] =	vst v3  }
0x121: {  	[tilespmem:s24+$0x17130] =	vst v0  }
0x122: {  	s28 =	simm.s32 $0x0;
	[tilespmem:s24+$0x17120] =	vst v2  }
0x123: {  	v0 =	vld [tilespmem:s28+$0x14030]  }
0x124: {  	v1 =	vld [tilespmem:s28+$0x14070]  }
0x125: {  	v4 =	vld [tilespmem:s28+$0x14000]  }
0x126: {  	v5 =	vld [tilespmem:s28+$0x14040]  }
0x127: {  	v3 =	vld [tilespmem:s28+$0x14010]  }
0x128: {  	v7 =	vld [tilespmem:s28+$0x14050]  }
0x129: {  	v2 =	vld [tilespmem:s28+$0x14020];
	v0 =	vadd.f32 v1, v0  }
0x12a: {  	s26 =	simm.s32 $0x80;
	v6 =	vimm.f32 $0.0e+00;
	v8 =	vld [tilespmem:s28+$0x14060];
	v1 =	vimm.f32 $0.0e+00  }
0x12b: {  	s28 =	simm.s32 $0x400;
	v9 =	vadd.f32 v5, v4;
	v4 =	vld [tilespmem:s26+$0x14030];
	v5 =	vimm.f32 $0.0e+00;
	v0 =	vadd.f32 v0, v1  }
.LBB2_15:
0x12c: {  	p1 =	sne.s32 s28, $0x3000;
	v10 =	vld [tilespmem:s26+$0x14070]  }
0x12d: {  	v11 =	vld [tilespmem:s26+$0x14000];
	v1 =	vadd.f32 v9, v1;
	v7 =	vadd.f32 v7, v3  }
0x12e: {  	v9 =	vld [tilespmem:s26+$0x14040]  }
.Ltmp8:
0x12f: {  	v3 =	vld [tilespmem:s26+$0x14010];
	v6 =	vadd.f32 v7, v6;
	v8 =	vadd.f32 v8, v2;
	(pc) =	sbr.rel @p1 .LBB2_15-.Ltmp8, $4  }
0x130: {  	v7 =	vld [tilespmem:s26+$0x14050]  }
0x131: {  	v2 =	vld [tilespmem:s26+$0x14020];
	v10 =	vadd.f32 v10, v4;
	v5 =	vadd.f32 v8, v5  }
0x132: {  	v8 =	vld [tilespmem:s26+$0x14060];
	s26 =	sshra.s32 s28, $0x2  }
0x133: {  	s28 =	sadd.s32 $0x200, s28;
	v4 =	vld [tilespmem:s26+$0x14030];
	v9 =	vadd.f32 v9, v11;
	v0 =	vadd.f32 v10, v0  }
0x134: {  	v10 =	vld [tilespmem:s26+$0x14000]  }
0x135: {  	v11 =	vld [tilespmem:s26+$0x14040]  }
0x136: {  	v12 =	vld [tilespmem:s26+$0x14010]  }
0x137: {  	v13 =	vld [tilespmem:s26+$0x14050]  }
0x138: {  	v14 =	vld [tilespmem:s26+$0x14020]  }
0x139: {  	v3 =	vadd.f32 v7, v3;
	v7 =	vld [tilespmem:s26+$0x14070]  }
0x13a: {  	v15 =	vld [tilespmem:s26+$0x14060]  }
0x13b: {  	v1 =	vadd.f32 v9, v1;
	v2 =	vadd.f32 v8, v2  }
0x13c: {  	v3 =	vadd.f32 v3, v6;
	v6 =	vadd.f32 v11, v10  }
0x13d: {  	v2 =	vadd.f32 v2, v5;
	v5 =	vadd.f32 v13, v12  }
0x13e: {  	v4 =	vadd.f32 v7, v4;
	v1 =	vadd.f32 v6, v1  }
0x13f: {  	v6 =	vadd.f32 v15, v14;
	v3 =	vadd.f32 v5, v3  }
0x140: {  	v0 =	vadd.f32 v4, v0;
	[tilespmem:s24+$0x17140] =	vst v1  }
0x141: {  	v2 =	vadd.f32 v6, v2;
	[tilespmem:s24+$0x17150] =	vst v3  }
0x142: {  	[tilespmem:s24+$0x17170] =	vst v0  }
0x143: {  	s25 =	sadd.s32 @!p0 $0x7300, s25;
	s28 =	simm.s32 @!p0 $0x13000;
	s26 =	simm.s32 @!p0 $0x80;
	[tilespmem:s24+$0x17160] =	vst v2  }
0x144: {  	[tilespmem:s28], [sflag:$0x3] =	stream.indirect.gather @!p0 [hbm4b:s3+s26], $0x40, s25, s26, $0xb8;
	[tilespmem:$0x1F000] =	vst v63  }
0x145: {  	_ =	swait.ge [sflag:s20], $0x2000  }
0x146: {  	[sflag:s20] =	ssyncset.done $0x0  }
0x147: {  	s31 =	simm.s32 $0x0;
	[sflag:s20] =	ssyncadd.s32 $0xFFFFE000  }
0x148: {  	v0 =	vld [tilespmem:s31+$0x15030]  }
0x149: {  	v1 =	vld [tilespmem:s31+$0x15070]  }
0x14a: {  	v4 =	vld [tilespmem:s31+$0x15000]  }
0x14b: {  	v5 =	vld [tilespmem:s31+$0x15040]  }
0x14c: {  	v3 =	vld [tilespmem:s31+$0x15010]  }
0x14d: {  	v7 =	vld [tilespmem:s31+$0x15050]  }
0x14e: {  	v2 =	vld [tilespmem:s31+$0x15020];
	v0 =	vadd.f32 v1, v0  }
0x14f: {  	v6 =	vimm.f32 $0.0e+00;
	s25 =	simm.s32 $0x80;
	v8 =	vld [tilespmem:s31+$0x15060];
	v1 =	vimm.f32 $0.0e+00  }
0x150: {  	s26 =	simm.s32 $0x400;
	v9 =	vadd.f32 v5, v4;
	v4 =	vld [tilespmem:s25+$0x15030];
	v5 =	vimm.f32 $0.0e+00;
	v0 =	vadd.f32 v0, v1  }
.LBB2_17:
0x151: {  	p1 =	sne.s32 s26, $0x3000;
	v10 =	vld [tilespmem:s25+$0x15070]  }
0x152: {  	v11 =	vld [tilespmem:s25+$0x15000];
	v1 =	vadd.f32 v9, v1;
	v7 =	vadd.f32 v7, v3  }
0x153: {  	v9 =	vld [tilespmem:s25+$0x15040]  }
.Ltmp9:
0x154: {  	v3 =	vld [tilespmem:s25+$0x15010];
	v6 =	vadd.f32 v7, v6;
	v8 =	vadd.f32 v8, v2;
	(pc) =	sbr.rel @p1 .LBB2_17-.Ltmp9, $4  }
0x155: {  	v7 =	vld [tilespmem:s25+$0x15050]  }
0x156: {  	v2 =	vld [tilespmem:s25+$0x15020];
	v10 =	vadd.f32 v10, v4;
	v5 =	vadd.f32 v8, v5  }
0x157: {  	v8 =	vld [tilespmem:s25+$0x15060];
	s25 =	sshra.s32 s26, $0x2  }
0x158: {  	s26 =	sadd.s32 $0x200, s26;
	v4 =	vld [tilespmem:s25+$0x15030];
	v9 =	vadd.f32 v9, v11;
	v0 =	vadd.f32 v10, v0  }
0x159: {  	v10 =	vld [tilespmem:s25+$0x15000]  }
0x15a: {  	v11 =	vld [tilespmem:s25+$0x15040]  }
0x15b: {  	v12 =	vld [tilespmem:s25+$0x15010]  }
0x15c: {  	v13 =	vld [tilespmem:s25+$0x15050]  }
0x15d: {  	v14 =	vld [tilespmem:s25+$0x15020]  }
0x15e: {  	v3 =	vadd.f32 v7, v3;
	v7 =	vld [tilespmem:s25+$0x15070]  }
0x15f: {  	v15 =	vld [tilespmem:s25+$0x15060]  }
0x160: {  	v1 =	vadd.f32 v9, v1;
	v2 =	vadd.f32 v8, v2  }
0x161: {  	v3 =	vadd.f32 v3, v6;
	v6 =	vadd.f32 v11, v10  }
0x162: {  	v2 =	vadd.f32 v2, v5;
	v5 =	vadd.f32 v13, v12  }
0x163: {  	v4 =	vadd.f32 v7, v4;
	v1 =	vadd.f32 v6, v1  }
0x164: {  	v6 =	vadd.f32 v15, v14;
	v3 =	vadd.f32 v5, v3  }
0x165: {  	v0 =	vadd.f32 v4, v0;
	[tilespmem:s24+$0x17180] =	vst v1  }
0x166: {  	v2 =	vadd.f32 v6, v2;
	[tilespmem:s24+$0x17190] =	vst v3  }
0x167: {  	[tilespmem:s24+$0x171B0] =	vst v0  }
0x168: {  	s26 =	simm.s32 $0x0;
	[tilespmem:s24+$0x171A0] =	vst v2  }
0x169: {  	v0 =	vld [tilespmem:s26+$0x16030]  }
0x16a: {  	v1 =	vld [tilespmem:s26+$0x16070]  }
0x16b: {  	v4 =	vld [tilespmem:s26+$0x16000]  }
0x16c: {  	v5 =	vld [tilespmem:s26+$0x16040]  }
0x16d: {  	v3 =	vld [tilespmem:s26+$0x16010]  }
0x16e: {  	v7 =	vld [tilespmem:s26+$0x16050]  }
0x16f: {  	v2 =	vld [tilespmem:s26+$0x16020];
	v0 =	vadd.f32 v1, v0  }
0x170: {  	s25 =	simm.s32 $0x80;
	v6 =	vimm.f32 $0.0e+00;
	v8 =	vld [tilespmem:s26+$0x16060];
	v1 =	vimm.f32 $0.0e+00  }
0x171: {  	s26 =	simm.s32 $0x400;
	v9 =	vadd.f32 v5, v4;
	v4 =	vld [tilespmem:s25+$0x16030];
	v5 =	vimm.f32 $0.0e+00;
	v0 =	vadd.f32 v0, v1  }
.LBB2_19:
0x172: {  	p1 =	sne.s32 s26, $0x3000;
	v10 =	vld [tilespmem:s25+$0x16070]  }
0x173: {  	v11 =	vld [tilespmem:s25+$0x16000];
	v1 =	vadd.f32 v9, v1;
	v7 =	vadd.f32 v7, v3  }
0x174: {  	v9 =	vld [tilespmem:s25+$0x16040]  }
.Ltmp10:
0x175: {  	v3 =	vld [tilespmem:s25+$0x16010];
	v6 =	vadd.f32 v7, v6;
	v8 =	vadd.f32 v8, v2;
	(pc) =	sbr.rel @p1 .LBB2_19-.Ltmp10, $4  }
0x176: {  	v7 =	vld [tilespmem:s25+$0x16050]  }
0x177: {  	v2 =	vld [tilespmem:s25+$0x16020];
	v10 =	vadd.f32 v10, v4;
	v5 =	vadd.f32 v8, v5  }
0x178: {  	v8 =	vld [tilespmem:s25+$0x16060];
	s25 =	sshra.s32 s26, $0x2  }
0x179: {  	s26 =	sadd.s32 $0x200, s26;
	v4 =	vld [tilespmem:s25+$0x16030];
	v9 =	vadd.f32 v9, v11;
	v0 =	vadd.f32 v10, v0  }
0x17a: {  	v10 =	vld [tilespmem:s25+$0x16000]  }
0x17b: {  	v11 =	vld [tilespmem:s25+$0x16040]  }
0x17c: {  	v12 =	vld [tilespmem:s25+$0x16010]  }
0x17d: {  	v13 =	vld [tilespmem:s25+$0x16050]  }
0x17e: {  	v14 =	vld [tilespmem:s25+$0x16020]  }
0x17f: {  	v15 =	vld [tilespmem:s25+$0x16060]  }
0x180: {  	v60 =	vld [tilespmem:s25+$0x16070];
	v3 =	vadd.f32 v7, v3  }
0x181: {  	v1 =	vadd.f32 v9, v1;
	v2 =	vadd.f32 v8, v2  }
0x182: {  	v3 =	vadd.f32 v3, v6;
	v61 =	vadd.f32 v11, v10  }
0x183: {  	v2 =	vadd.f32 v2, v5;
	v62 =	vadd.f32 v13, v12  }
0x184: {  	v63 =	vadd.f32 v15, v14;
	v1 =	vadd.f32 v61, v1  }
.Ltmp11:
0x185: {  	v4 =	vadd.f32 v60, v4;
	v3 =	vadd.f32 v62, v3;
	(pc) =	sbr.rel @p0 .LBB2_22-.Ltmp11, $4  }
0x186: {  	v2 =	vadd.f32 v63, v2;
	[tilespmem:s24+$0x171C0] =	vst v1  }
0x187: {  	v0 =	vadd.f32 v4, v0;
	[tilespmem:s24+$0x171D0] =	vst v3  }
0x188: {  	[tilespmem:s24+$0x171E0] =	vst v2  }
0x189: {  	[tilespmem:s24+$0x171F0] =	vst v0  }
.Ltmp12:
0x18a: {  	(pc) =	sbr.rel .LBB2_4-.Ltmp12, $3  }
0x18b: {  	_ =	sdelay $0x1  }
0x18c: {  	s24 =	sadd.s32 $0x7380, s24;
	s23 =	sadd.s32 $0x1, s23  }
0x18d: {  	[tilespmem:s16], [sflag:$0x4] =	stream.indirect.gather [hbm4b:s3+s8], $0x40, s24, s8, $0xb8;
	[tilespmem:$0x1F000] =	vst v63  }
.LBB2_23:
0x18e: {  	_ =	sfence.sel $0x180000  }
0x18f: {  	[bflag:$0x0] =	sbarrier.arrive $0xFFFF  }
0x190: {  	p0 =	sne.s32 s0, $0x0;
	_ =	strace $0x9000004A  }
0x191: {  	s0 =	sadd.s32 @!p0 $0x100000, s1;
	[bflag:$0x2] =	sbarrier.arrive $0xFFFF  }
0x192: {  	[sflag:s0] =	ssyncadd.tile.s32 @!p0 $0x1;
	_ =	shalt  }
.Lfunc_end2:
_tile_overlayer_lowered:
.L_overlay_start_2:
0x193: {  	(tag) =	ssettag $0x2  }
0x194: {  	s0 =	rddreg [dreg:$0x0];
	s2 =	stileid.u32  }
0x195: {  	s1 =	rddreg [dreg:$0x1];
	p0 =	sne.s32 s2, $0x0  }
0x196: {  	s3 =	rddreg [dreg:$0x2];
	[bflag:$0x3] =	sbarrier.arrive $0xFFFF;
	s2 =	simm.s32 @!p0 $0x1C05  }
0x197: {  	[timem:s3], [sflag:s2] =	dma.local @!p0 [hbm:s0], s1  }
0x198: {  	s0 =	simm.s32 @!p0 $0x5  }
0x199: {  	_ =	swait.ge @!p0 [sflag:s0], s1  }
0x19a: {  	s1 =	ssub.s32 @!p0 $0x0, s1;
	[sflag:s0] =	ssyncset.done @!p0 $0x0  }
0x19b: {  	[sflag:s0] =	ssyncadd.s32 @!p0 s1  }
0x19c: {  	[bflag:$0x3] =	sbarrier.arrive $0xFFFF  }
0x19d: {  	_ =	shalt  }

// kernel: sparse-core-data-format-call.cloned.1.call-start
scs
called_computation_lowered:
.L_overlay_start_0:
0x0: {  	s2 =	sld [smem:$0x3FD9]  }
0x1: {  	s3 =	sld [smem:$0x3FFE];
	_ =	sdelay $0x1  }
0x2: {  	s1 =	srdreg.scid  }
0x3: {  	s0 =	sand.u32 $0x1, s1  }
0x4: {  	s18 =	sshll.u32 s0, $0xA;
	s2 =	sadd.s32 s3, s2  }
0x5: {  	s2 =	sadd.s32 s2, s18  }
0x6: {  	[smem:$0x3FC2] =	sst s2  }
0x7: {  	_ = 	snop  }
0x8: {  	s2 =	sld [smem:$0x3FC8];
	(tm) =	ssettm $0x1  }
0x9: {  	s19 =	sld [smem:$0x3FFB];
	_ =	sdelay $0x3  }
0xa: {  	_ =	strace s19  }
0xb: {  	s3 =	sld [smem:$0x3FFC];
	_ =	sdelay $0x3  }
0xc: {  	_ =	strace s3  }
0xd: {  	s3 =	sld [smem:$0x3FFD];
	_ =	sdelay $0x3  }
0xe: {  	_ =	strace s3  }
0xf: {  	_ =	strace $0x8FFFFFFF  }
0x10: {  	s20 =	sld [smem:$0x3FDB];
	_ =	sdelay $0x1  }
0x11: {  	s4 =	simm.s32 $_scs_section_size  }
0x12: {  	s5 =	simm.s32 $_size__tile_overlayer_lowered;
	s6 =	simm.s32 $_tile_overlayer_lowered  }
0x13: {  	s23 =	simm.s32 $0x1BFF;
	s22 =	sshll.u32 s6, $0x1;
	s3 =	sadd.s32 s4, s20  }
0x14: {  	s7 =	simm.s32 $0x0;
	s21 =	sshll.u32 s5, $0x1;
	s5 =	sadd.s32 s22, s3  }
0x15: {  	[timem:s7], [sflag:s23] =	dma.local [hbm:s5], s21  }
0x16: {  	_ =	swait.ge [sflag:s23], s21  }
0x17: {  	s4 =	ssub.s32 $0x0, s21;
	[sflag:s23] =	ssyncset.done $0x0  }
0x18: {  	[sflag:s23] =	ssyncadd.s32 s4;
	_ =	sdelay $0x1  }
0x19: {  	s24 =	simm.s32 $0x1B8B  }
0x1a: {  	_ =	swait.ge [sflag:s24], $0x1  }
0x1b: {  	[sflag:s24] =	ssyncset.done $0x0  }
0x1c: {  	s26 =	simm.s32 $0x1B8E;
	s25 =	sld [smem:$0x3FFE];
	[sflag:s24] =	ssyncadd.s32 $0xFFFFFFFF  }
0x1d: {  	s27 =	simm.s32 $execute0_lowered;
	[smem:$0x3FD2] =	sst s26  }
0x1e: {  	s5 =	sshll.u32 s27, $0x1;
	_ =	strace $0x80000046;
	[dreg:$0x1] =	wrdreg $0xFFFFFFFF  }
0x1f: {  	s28 =	simm.s32 $_size_execute0_lowered;
	s3 =	sadd.s32 s3, s5;
	[dreg:$0x0] =	wrdreg $0x0  }
0x20: {  	s5 =	sshll.u32 s28, $0x1;
	[dreg:$0x2] =	wrdreg s3  }
0x21: {  	[dreg:$0x3] =	wrdreg s5  }
0x22: {  	[dreg:$0x4] =	wrdreg $0xC0  }
0x23: {  	_ =	task [dreg:s7], $0x5FFFF  }
0x24: {  	[dreg:$0x1] =	wrdreg $0xFFFFFFFF  }
0x25: {  	[dreg:$0x0] =	wrdreg $0x60  }
0x26: {  	[dreg:$0x2] =	wrdreg s2  }
0x27: {  	[dreg:$0x3] =	wrdreg s25  }
0x28: {  	[dreg:$0x4] =	wrdreg $0x9  }
0x29: {  	_ =	task.clear_ibuf [dreg:s7], $0x5FFFF;
	_ =	strace $0x90000046  }
0x2a: {  	s29 =	simm.s32 $0x9;
	_ =	strace $0x80000048  }
0x2b: {  	_ =	swait.ge [sflag:s29], $0x1  }
0x2c: {  	[sflag:s29] =	ssyncadd.s32 $0xFFFFFFFF  }
0x2d: {  	_ =	strace $0x90000048  }
0x2e: {  	_ =	sfence  }
0x2f: {  	s30 =	sld [smem:$0x0];
	_ =	sdelay $0x2  }
0x30: {  	s31 =	sshll.u32 s1, $0xD;
	s1 =	sshrl.u32 s1, $0x2  }
0x31: {  	s3 =	sand.u32 $0x4000, s31;
	s1 =	sadd.s32 s1, s30  }
0x32: {  	s0 =	sor.u32 s3, s0;
	s1 =	sshll.u32 s1, $0x11  }
0x33: {  	s0 =	sor.u32 s1, s0  }
0x34: {  	s0 =	sadd.s32 $0x8F2B, s0  }
0x35: {  	[sflag:s0] =	ssyncadd.remote.s32 $0x1  }
0x36: {  	_ =	sfence.sel $0xFFFF  }
0x37: {  	[dreg:$0x0] =	wrdreg $0xFFFFFFFF;
	(pc) =	sbr.abs _section_cstart, $3  }
0x38: {  	[dreg:$0x1] =	wrdreg $0xFFFFFFFF  }
0x39: {  	_ =	task.clear_ibuf [dreg:s7], $0x2FFFF;
	_ =	strace $0x9FFFFFFF  }
0x3a: {  	(tm) =	ssettm $0x7FFFFFFF  }
0x3b: {  	_ =	shalt  }
tec
execute0_lowered:
.L_overlay_start_1:
0x0: {  	(tag) =	ssettag $0x1  }
0x1: {  	s0 =	srdreg.scid;
	s2 =	rddreg [dreg:$0x0]  }
0x2: {  	s5 =	rddreg [dreg:$0x1];
	s1 =	stileid.u32  }
0x3: {  	s4 =	simm.s32 $0x1;
	s6 =	simm.s32 $0x2;
	s15 =	simm.s32 $0x0  }
0x4: {  	p0 =	por $0x0, $0x0;
	s8 =	simm.s32 $0x80;
	s0 =	sshll.u32 s0, $0x4  }
0x5: {  	s14 =	simm.s32 $0x0;
	s9 =	simm.s32 $0x0;
	s3 =	sand.u32 $0x10, s0  }
.Ltmp0:
0x6: {  	s10 =	simm.s32 $0x0;
	s3 =	sor.u32 s1, s3;
	(pc) =	sbr.rel .LBB1_1-.Ltmp0, $4  }
0x7: {  	s0 =	rddreg [dreg:$0x2];
	_ =	strace $0x80000047;
	s3 =	sshll.u32 s3, $0x7  }
0x8: {  	s12 =	simm.s32 $0x0;
	[sflag:s4] =	ssyncpa.u1 $0x0;
	s7 =	ssub.s32 $0xF4200, s3  }
0x9: {  	s13 =	simm.s32 $0x0;
	[sflag:s6] =	ssyncpa.u1 $0x0;
	s6 =	sshrl.u32 s7, $0xC  }
0xa: {  	s5 =	sadd.s32 $0x1200, s5;
	s11 =	smov.u32 s3;
	s7 =	sadd.s32 $0x2, s6  }
.LBB1_5:
0xb: {  	p1 =	slt.u32 s13, $0x2  }
0xc: {  	s17 =	smov.u32 s15;
	p2 =	sgt.s32 @!p1 s15, $0xF41C0;
	s16 =	sshra.s32 @!p1 s15, $0x1F  }
0xd: {  	p3 =	sgt.s32 @!p1 s14, $0x40;
	s18 =	sshra.s32 @!p1 s14, $0x1F;
	p2 =	por !p2, p1  }
0xe: {  	s15 =	sand.u32 @!p1 s16, s15;
	p3 =	por !p3, p1;
	s16 =	smov.u32 s14  }
0xf: {  	s14 =	sand.u32 @!p1 s18, s14;
	s17 =	simm.s32 @p2 $0xF41C0;
	s16 =	simm.s32 @p3 $0x40  }
0x10: {  	s15 =	ssub.s32 @!p1 s17, s15;
	s14 =	ssub.s32 @!p1 s16, s14  }
0x11: {  	s18 =	smov.u32 s12;
	s16 =	sadd.s32 @!p1 $0xFFF0BE40, s15;
	s17 =	sadd.s32 @!p1 $0xFFFFFFC0, s14  }
0x12: {  	s15 =	ssub.s32 @!p1 $0xF4240, s15;
	p2 =	sgt.s32 @!p1 s16, $0x7F;
	p3 =	sgt.s32 @!p1 s17, $0x3F  }
0x13: {  	s14 =	ssub.s32 @!p1 $0x80, s14;
	p2 =	por !p2, p1;
	p3 =	por !p3, p1  }
0x14: {  	s16 =	sadd.s32 $0x1000, s11;
	s15 =	simm.s32 @!p2 $0x0;
	s14 =	simm.s32 @!p3 $0x0  }
0x15: {  	p2 =	sgt.s32 s16, $0xF423F;
	s14 =	smul.u32 @!p1 s14, s15;
	s15 =	sadd.s32 $0x40, s12  }
0x16: {  	s18 =	smov.u32 @p2 s15  }
0x17: {  	s16 =	smov.u32 @p2 s3;
	p2 =	sgt.s32 s18, $0x3F  }
0x18: {  	s18 =	simm.s32 @p2 $0x0;
	p2 =	sne.s32 s13, s7  }
.Ltmp1:
0x19: {  	p0 =	por !p0, !p0;
	s17 =	simm.s32 @!p1 $0x2;
	(pc) =	sbr.rel @!p2 .LBB1_6-.Ltmp1, $4  }
0x1a: {  	s15 =	smov.u32 s9;
	s9 =	smov.u32 s11;
	s14 =	sand.u32 @!p1 $0x3FFFFFFF, s14  }
0x1b: {  	s11 =	smov.u32 s16;
	_ =	swait.ge @!p1 [sflag:s17], s14;
	s19 =	ssub.s32 @!p1 $0x0, s14  }
0x1c: {  	s14 =	smov.u32 s10;
	s13 =	sadd.s32 $0x1, s13;
	[sflag:s17] =	ssyncset.done @!p1 $0x0  }
0x1d: {  	s10 =	smov.u32 s12;
	s12 =	smov.u32 s18;
	[sflag:s17] =	ssyncadd.s32 @!p1 s19  }
.LBB1_1:
0x1e: {  	p1 =	sgt.u32 s13, s6  }
0x1f: {  	s16 =	sshrl.u32 @!p1 s12, $0x3  }
0x20: {  	s17 =	sshll.u32 @!p1 s11, $0x3;
	s16 =	smul.u32 @!p1 $0x7A1400, s16  }
0x21: {  	s18 =	sshll.u32 @!p1 s12, $0x7;
	s17 =	sand.u32 @!p1 $0xFFFFFC00, s17  }
0x22: {  	s16 =	sadd.s32 @!p1 s16, s17;
	s17 =	sand.u32 @!p1 $0x380, s18  }
0x23: {  	s18 =	sand.u32 @!p1 $0x7F, s11;
	s16 =	sor.u32 @!p1 s17, s16  }
0x24: {  	s17 =	sor.u32 @!p1 s18, s16  }
0x25: {  	s18 =	smulhi.u32 @!p1 $0x218D6287, s17;
	_ =	sdelay $0x1  }
0x26: {  	s16 =	smulhi.u32 @!p1 $0x218D6287, s16;
	s18 =	sshrl.u32 @!p1 s18, $0x11  }
0x27: {  	s18 =	smul.u32 @!p1 $0xF4280, s18  }
0x28: {  	s19 =	sxor.u32 @!p1 $0xFFFFFFFF, s13;
	s16 =	sshrl.u32 @!p1 s16, $0x11  }
0x29: {  	s19 =	sshll.u32 @!p1 s19, $0xD;
	s16 =	sand.u32 @!p1 $0x3F, s16;
	s17 =	ssub.s32 @!p1 s17, s18  }
0x2a: {  	s16 =	smul.u32 @!p1 $0x1E850, s16;
	s18 =	sshrl.u32 @!p1 s17, $0x3;
	s17 =	sand.u32 @!p1 $0x7, s17  }
0x2b: {  	s19 =	sand.u32 @!p1 $0x2000, s19;
	s18 =	sadd.s32 @!p1 s2, s18;
	s17 =	sshll.u32 @!p1 s17, $0x12  }
0x2c: {  	s16 =	sadd.s32 @!p1 s16, s18;
	s17 =	sor.u32 @!p1 $0x400, s17;
	s18 =	simm.s32 @!p1 $0x7A1400  }
0x2d: {  	[tilespmem:s19], [sflag:$0x1] =	stream.strided.gather @!p1 [hbm4b:s16+s17], $0x2000, s18, s17, $0x38;
	[tilespmem:$0x8100] =	vst v63  }
0x2e: {  	p1 =	seq.s32 s13, $0x0  }
0x2f: {  	p2 =	sge.u32 @!p1 s13, s7  }
0x30: {  	p1 =	por p1, p2  }
.Ltmp2:
0x31: {  	_ = 	snop;
	(pc) =	sbr.rel @p1 .LBB1_5-.Ltmp2, $1  }
0x32: {  	_ =	sdelay $0x3  }
0x33: {  	s16 =	simm.s32 $0x1  }
0x34: {  	_ =	swait.ge [sflag:s4], $0x2000;
	s16 =	simm.s32 @!p0 $0x0  }
0x35: {  	[sflag:s4] =	ssyncset.done $0x0;
	s17 =	sshll.u32 s16, $0xD  }
0x36: {  	[sflag:s4] =	ssyncadd.s32 $0xFFFFE000;
	s17 =	sor.u32 $0x40, s17  }
0x37: {  	s16 =	smul.u32 $0x8200, s16;
	v0 =	vld [tilespmem:s17+$0x30]  }
0x38: {  	v1 =	vld [tilespmem:s17+$0xFFFFFFD0]  }
0x39: {  	s16 =	sshrl.u32 s16, $0x2;
	v5 =	vld [tilespmem:s17+$0xFFFFFFE0]  }
0x3a: {  	v6 =	vld [tilespmem:s17+$0xFFFFFFF0];
	s19 =	sor.u32 $0x4000, s16  }
0x3b: {  	s31 =	sand.u32 $0x1, s13;
	v4 =	vld [tilespmem:s17+$0x0];
	s18 =	sadd.s32 $0x0, s19  }
0x3c: {  	v3 =	vld [tilespmem:s17+$0x10];
	s16 =	smul.u32 $0x8200, s31;
	[tilespmem:s18+$0x1C70 ss:$0x41] =	vst.msk $0xffff, v0  }
0x3d: {  	v2 =	vld [tilespmem:s17+$0x20];
	[tilespmem:s18+$0x410 ss:$0x41] =	vst.msk $0xffff, v1  }
0x3e: {  	s16 =	sshrl.u32 s16, $0x2;
	v1 =	vld [tilespmem:s17+$0xFFFFFFC0];
	[tilespmem:s18+$0x820 ss:$0x41] =	vst.msk $0xffff, v5;
	s17 =	sadd.s32 $0x80, s17  }
0x3f: {  	s20 =	simm.s32 $0x4;
	s21 =	simm.s32 $0x8;
	s16 =	sor.u32 $0x4000, s16;
	[tilespmem:s18+$0xC30 ss:$0x41] =	vst.msk $0xffff, v6;
	v0 =	vld [tilespmem:s17+$0x30]  }
.LBB1_3:
0x40: {  	p1 =	sne.s32 s21, $0xFC;
	v5 =	vld [tilespmem:s17+$0xFFFFFFD0];
	[tilespmem:s18+$0x1040 ss:$0x41] =	vst.msk $0xffff, v4  }
0x41: {  	v6 =	vld [tilespmem:s17+$0xFFFFFFE0];
	[tilespmem:s18+$0x1450 ss:$0x41] =	vst.msk $0xffff, v3  }
0x42: {  	s22 =	sshra.s32 s20, $0x2;
	s20 =	smov.u32 s21;
	v7 =	vld [tilespmem:s17+$0xFFFFFFF0];
	[tilespmem:s18+$0x1860 ss:$0x41] =	vst.msk $0xffff, v2  }
.Ltmp3:
0x43: {  	v4 =	vld [tilespmem:s17+$0x0];
	[tilespmem:s18+$0x0 ss:$0x41] =	vst.msk $0xffff, v1;
	s18 =	sadd.s32 s22, s19;
	(pc) =	sbr.rel @p1 .LBB1_3-.Ltmp3, $4  }
0x44: {  	v3 =	vld [tilespmem:s17+$0x10];
	[tilespmem:s18+$0x1C70 ss:$0x41] =	vst.msk $0xffff, v0  }
0x45: {  	[tilespmem:s18+$0x410 ss:$0x41] =	vst.msk $0xffff, v5;
	v2 =	vld [tilespmem:s17+$0x20]  }
0x46: {  	v1 =	vld [tilespmem:s17+$0xFFFFFFC0];
	[tilespmem:s18+$0x820 ss:$0x41] =	vst.msk $0xffff, v6;
	s17 =	sadd.s32 $0x80, s17  }
0x47: {  	s21 =	sadd.s32 $0x4, s21;
	v0 =	vld [tilespmem:s17+$0x30];
	[tilespmem:s18+$0xC30 ss:$0x41] =	vst.msk $0xffff, v7  }
0x48: {  	s21 =	sshll.u32 s9, $0x7;
	s22 =	sshll.u32 s10, $0x3;
	s20 =	sshra.s32 s20, $0x2  }
0x49: {  	p1 =	sgt.s32 s9, $0xF41C0;
	s30 =	sshra.s32 s9, $0x1F;
	s25 =	sshra.s32 s10, $0x1F  }
0x4a: {  	v5 =	vld [tilespmem:s17+$0xFFFFFFD0];
	s28 =	sshrl.u32 s10, $0x3;
	s23 =	sand.u32 $0xFFFFFC00, s21;
	s22 =	sand.u32 $0xFFFFFC00, s22  }
0x4b: {  	[tilespmem:s18+$0x1040 ss:$0x41] =	vst.msk $0xffff, v4;
	v58 =	vld [tilespmem:s17+$0xFFFFFFE0];
	s21 =	sand.u32 $0x380, s21;
	s19 =	sadd.s32 s20, s19;
	s22 =	sadd.s32 s22, s23  }
0x4c: {  	v59 =	vld [tilespmem:s17+$0xFFFFFFF0];
	[tilespmem:s18+$0x1450 ss:$0x41] =	vst.msk $0xffff, v3;
	s29 =	sor.u32 s21, s22;
	s21 =	smov.u32 s9;
	s22 =	sand.u32 s30, s9  }
0x4d: {  	v60 =	vld [tilespmem:s17+$0x0];
	[tilespmem:s18+$0x1860 ss:$0x41] =	vst.msk $0xffff, v2;
	s30 =	sand.u32 $0x7, s10;
	s20 =	sshrl.u32 s29, $0x7;
	s21 =	simm.s32 @!p1 $0xF41C0  }
0x4e: {  	v61 =	vld [tilespmem:s17+$0x10];
	[tilespmem:s18+$0x0 ss:$0x41] =	vst.msk $0xffff, v1;
	p1 =	sgt.s32 s10, $0x40;
	s24 =	ssub.s32 s21, s22;
	s21 =	smov.u32 s10  }
0x4f: {  	v62 =	vld [tilespmem:s17+$0x20];
	[tilespmem:s19+$0x1C70 ss:$0x41] =	vst.msk $0xffff, v0;
	s31 =	smulhi.u32 $0x218DEF5, s20;
	s22 =	sand.u32 s25, s10;
	s21 =	simm.s32 @!p1 $0x40  }
0x50: {  	v63 =	vld [tilespmem:s17+$0xFFFFFFC0];
	[tilespmem:s19+$0x410 ss:$0x41] =	vst.msk $0xffff, v5;
	s26 =	sadd.s32 $0xFFF0BE40, s24;
	s17 =	ssub.s32 $0xF4240, s24;
	s21 =	ssub.s32 s21, s22  }
0x51: {  	[tilespmem:s19+$0x820 ss:$0x41] =	vst.msk $0xffff, v58;
	s23 =	sshrl.u32 s31, $0xD;
	p1 =	sgt.s32 s26, $0x7F;
	s27 =	sadd.s32 $0xFFFFFFC0, s21  }
0x52: {  	[tilespmem:s19+$0xC30 ss:$0x41] =	vst.msk $0xffff, v59;
	s23 =	smul.u32 $0xF4240, s23;
	s18 =	ssub.s32 $0x80, s21;
	p2 =	sgt.s32 s27, $0x3F  }
.Ltmp4:
0x53: {  	[tilespmem:s19+$0x1040 ss:$0x41] =	vst.msk $0xffff, v60;
	s17 =	simm.s32 @p1 $0x0;
	s18 =	simm.s32 @p2 $0x0;
	(pc) =	sbr.rel .LBB1_5-.Ltmp4, $4  }
0x54: {  	s29 =	sand.u32 $0xF, s28;
	[tilespmem:s19+$0x1450 ss:$0x41] =	vst.msk $0xffff, v61;
	s20 =	ssub.s32 s20, s23;
	s17 =	smul.u32 s18, s17  }
0x55: {  	[tilespmem:s19+$0x1860 ss:$0x41] =	vst.msk $0xffff, v62;
	s21 =	sshll.u32 s30, $0x12;
	s20 =	sshll.u32 s20, $0x4;
	s18 =	sadd.s32 s5, s29  }
0x56: {  	[tilespmem:s19+$0x0 ss:$0x41] =	vst.msk $0xffff, v63;
	s31 =	sor.u32 $0x40, s21;
	s18 =	sadd.s32 s20, s18;
	s17 =	sand.u32 $0x3FFFFFFF, s17  }
0x57: {  	[hbm4b:s18+s31] =	stream.strided.scatter [tilespmem:s16], [sflag:$0x2], s17, s8, s31, $0x18;
	[tilespmem:$0x8100] =	vst v63  }
.LBB1_6:
0x58: {  	_ =	sfence.sel $0x180000  }
0x59: {  	s2 =	simm.s32 $0x1;
	[bflag:$0x0] =	sbarrier.arrive $0xFFFF  }
0x5a: {  	s31 =	simm.s32 $0x2;
	[sflag:s2] =	ssyncpa.u1 $0x1  }
0x5b: {  	[sflag:s31] =	ssyncpa.u1 $0x1  }
0x5c: {  	p0 =	sne.s32 s1, $0x0;
	_ =	strace $0x90000047  }
0x5d: {  	s0 =	sadd.s32 @!p0 $0x100000, s0;
	[bflag:$0x2] =	sbarrier.arrive $0xFFFF  }
0x5e: {  	[sflag:s0] =	ssyncadd.tile.s32 @!p0 $0x1;
	_ =	shalt  }
.Lfunc_end1:
_tile_overlayer_lowered:
.L_overlay_start_2:
0x5f: {  	(tag) =	ssettag $0x2  }
0x60: {  	s0 =	rddreg [dreg:$0x0];
	s2 =	stileid.u32  }
0x61: {  	s1 =	rddreg [dreg:$0x1];
	p0 =	sne.s32 s2, $0x0  }
0x62: {  	s3 =	rddreg [dreg:$0x2];
	[bflag:$0x3] =	sbarrier.arrive $0xFFFF;
	s2 =	simm.s32 @!p0 $0x1C01  }
0x63: {  	[timem:s3], [sflag:s2] =	dma.local @!p0 [hbm:s0], s1  }
0x64: {  	s0 =	simm.s32 @!p0 $0x1  }
0x65: {  	_ =	swait.ge @!p0 [sflag:s0], s1  }
0x66: {  	s1 =	ssub.s32 @!p0 $0x0, s1;
	[sflag:s0] =	ssyncset.done @!p0 $0x0  }
0x67: {  	[sflag:s0] =	ssyncadd.s32 @!p0 s1  }
0x68: {  	[bflag:$0x3] =	sbarrier.arrive $0xFFFF  }
0x69: {  	_ =	shalt  }

</sc_bundles>
